<compile_context>
chip_gen: v7x
topology: tpu7x:2x2x1
jax: 0.10.2.dev20260603
libtpu: 0.0.44.dev20260713+nightly
codegen_flags: <defaults>
</compile_context>

<pallas_src>
import functools

import jax
import jax.numpy as jnp
from jax import lax
from jax.experimental import pallas as pl
from jax.experimental.pallas import tpu as pltpu
from jax.experimental.pallas import tpu_sc as plsc

N_NODES = 10000
N_EDGES = 320000
D = 128
BN_EPS = 1e-5

NC = 2
NS = 16
NW = NC * NS
EDGES_PER_WORKER = N_EDGES // NW
WIN = 80
NWIN = EDGES_PER_WORKER // WIN
N_INIT_WORKERS = 10
ROWS_PER_INIT = N_NODES // N_INIT_WORKERS


def _sc_aggregate(h, src, dst, zeros):
    mesh = plsc.VectorSubcoreMesh(core_axis_name="c", subcore_axis_name="s")
    out_t = jax.ShapeDtypeStruct((N_NODES, D), jnp.float32)

    @functools.partial(
        pl.kernel,
        mesh=mesh,
        out_type=[out_t, out_t],
        scratch_types=[
            pltpu.VMEM_SHARED((N_NODES, D), jnp.float32),
            pltpu.VMEM((NWIN, WIN), jnp.int32),
            pltpu.VMEM((EDGES_PER_WORKER,), jnp.int32),
            pltpu.VMEM((WIN, D), jnp.float32),
            pltpu.VMEM((WIN, D), jnp.float32),
            pltpu.SemaphoreType.DMA,
            pltpu.SemaphoreType.DMA,
            pltpu.SemaphoreType.DMA,
            pltpu.SemaphoreType.DMA,
        ],
    )
    def k(h_hbm, src_hbm, dst_hbm, z_hbm, out0, out1,
          acc, didx, sidx, rows0, rows1,
          gsem0, gsem1, ssem0, ssem1):
        c = lax.axis_index("c")
        s = lax.axis_index("s")

        wid = s * NC + c

        @pl.when(s < N_INIT_WORKERS)
        def _():
            r0 = s * ROWS_PER_INIT

            @pl.when(c == 0)
            def _():
                pltpu.async_copy(
                    h_hbm.at[pl.ds(r0, ROWS_PER_INIT)],
                    acc.at[pl.ds(r0, ROWS_PER_INIT)], gsem0)

            @pl.when(c != 0)
            def _():
                pltpu.async_copy(
                    z_hbm.at[pl.ds(r0, ROWS_PER_INIT)],
                    acc.at[pl.ds(r0, ROWS_PER_INIT)], gsem0)

        pltpu.sync_copy(dst_hbm.at[wid], didx)
        pltpu.sync_copy(src_hbm.at[wid], sidx)

        @pl.when(s < N_INIT_WORKERS)
        def _():
            r0 = s * ROWS_PER_INIT
            pltpu.make_async_copy(
                h_hbm.at[pl.ds(r0, ROWS_PER_INIT)],
                acc.at[pl.ds(r0, ROWS_PER_INIT)], gsem0).wait()

        plsc.subcore_barrier()

        HALF = WIN // 2

        def gather_start(w, rows, sem):
            b = w * WIN
            pltpu.make_async_copy(
                h_hbm.at[sidx.at[pl.ds(b, HALF)]],
                rows.at[pl.ds(0, HALF)], sem).start()
            pltpu.make_async_copy(
                h_hbm.at[sidx.at[pl.ds(b + HALF, HALF)]],
                rows.at[pl.ds(HALF, HALF)], sem).start()

        def gather_wait(rows, sem):
            pltpu.make_async_copy(
                h_hbm.at[sidx.at[pl.ds(0, HALF)]],
                rows.at[pl.ds(0, HALF)], sem).wait()
            pltpu.make_async_copy(
                h_hbm.at[sidx.at[pl.ds(0, HALF)]],
                rows.at[pl.ds(HALF, HALF)], sem).wait()

        gather_start(0, rows0, gsem0)

        @pl.loop(0, NWIN - 1, step=2)
        def _(g):
            @pl.when(g > 0)
            def _():
                pltpu.make_async_copy(rows1, acc.at[didx.at[0]], ssem1).wait()

            gather_start(g + 1, rows1, gsem1)
            gather_wait(rows0, gsem0)
            pltpu.async_copy(rows0, acc.at[didx.at[g]], ssem0, add=True)

            pltpu.make_async_copy(rows0, acc.at[didx.at[0]], ssem0).wait()
            gather_start(g + 2, rows0, gsem0)
            gather_wait(rows1, gsem1)
            pltpu.async_copy(rows1, acc.at[didx.at[g + 1]], ssem1, add=True)

        gather_wait(rows0, gsem0)
        pltpu.async_copy(rows0, acc.at[didx.at[NWIN - 1]], ssem0, add=True)
        pltpu.make_async_copy(rows1, acc.at[didx.at[0]], ssem1).wait()
        pltpu.make_async_copy(rows0, acc.at[didx.at[0]], ssem0).wait()

        plsc.subcore_barrier()

        @pl.when(s < N_INIT_WORKERS)
        def _():
            r0 = s * ROWS_PER_INIT

            @pl.when(c == 0)
            def _():
                pltpu.async_copy(
                    acc.at[pl.ds(r0, ROWS_PER_INIT)],
                    out0.at[pl.ds(r0, ROWS_PER_INIT)], gsem0).wait()

            @pl.when(c != 0)
            def _():
                pltpu.async_copy(
                    acc.at[pl.ds(r0, ROWS_PER_INIT)],
                    out1.at[pl.ds(r0, ROWS_PER_INIT)], gsem0).wait()

    return k(h, src, dst, zeros)


def _mlp_body(a0, a1, w1, b1, g, bt, w2, b2, out):
    u = a0[...] + a1[...]
    y = jnp.dot(u, w1[...], preferred_element_type=jnp.float32,
                precision=lax.Precision.DEFAULT) + b1[...]
    mu = jnp.mean(y, axis=0, keepdims=True)
    d = y - mu
    var = jnp.mean(d * d, axis=0, keepdims=True)
    yn = d * (g[...] * lax.rsqrt(var + BN_EPS)) + bt[...]
    yn = jnp.maximum(yn, 0.0)
    z = jnp.dot(yn, w2[...], preferred_element_type=jnp.float32,
                precision=lax.Precision.DEFAULT) + b2[...]
    out[...] = jnp.maximum(z, 0.0)


_mlp = pl.pallas_call(
    _mlp_body,
    out_shape=jax.ShapeDtypeStruct((N_NODES, D), jnp.float32),
)


def kernel(x, edge_index, params):
    src = edge_index[0].reshape(NW, EDGES_PER_WORKER)
    dst = edge_index[1].reshape(NW, NWIN, WIN)
    zeros = jnp.zeros((N_NODES, D), jnp.float32)
    h = x
    for (W1, b1, gamma, beta, W2, b2) in params:
        p0, p1 = _sc_aggregate(h, src, dst, zeros)
        h = _mlp(p0, p1, W1, b1.reshape(1, D), gamma.reshape(1, D),
                 beta.reshape(1, D), W2, b2.reshape(1, D))
    return h

# --- scband reference (transcript-rebuilt; emitter-appended) ---
"""Pipeline reference for scband-gin-76725295775757 (READ-ONLY COPY).

The authoritative reference and input builder live on the scoring server;
editing this copy changes nothing except your own understanding.
"""

import jax, jax.numpy as jnp
import numpy as np

N_NODES = 10000
N_EDGES = 320000
D_IN = 128
D_HID = 128
D_OUT = 128
NUM_LAYERS = 3
BN_EPS = 1e-5


def _make_params(key):
    params = []
    dims = [(D_IN, D_HID, D_HID)] + [(D_HID, D_HID, D_HID)] * (NUM_LAYERS - 2) + [(D_HID, D_HID, D_OUT)]
    for i, (din, dh, dout) in enumerate(dims):
        k = jax.random.fold_in(key, i)
        k1, k2 = jax.random.split(k)
        W1 = jax.random.normal(k1, (din, dh), dtype=jnp.float32) * (1.0 / np.sqrt(din))
        b1 = jnp.zeros((dh,), dtype=jnp.float32)
        gamma = jnp.ones((dh,), dtype=jnp.float32)
        beta = jnp.zeros((dh,), dtype=jnp.float32)
        W2 = jax.random.normal(k2, (dh, dout), dtype=jnp.float32) * (1.0 / np.sqrt(dh))
        b2 = jnp.zeros((dout,), dtype=jnp.float32)
        params.append((W1, b1, gamma, beta, W2, b2))
    return params


def setup_inputs(seed: int = 0) -> dict:
    key = jax.random.key(seed)
    kx, ke, kp = jax.random.split(key, 3)
    x = jax.random.normal(kx, (N_NODES, D_IN), dtype=jnp.float32)
    edge_index = jax.random.randint(ke, (2, N_EDGES), 0, N_NODES, dtype=jnp.int32)
    params = _make_params(kp)
    return {"x": x, "edge_index": edge_index, "params": params}


def _gin_layer(h, src, dst, layer_params):
    W1, b1, gamma, beta, W2, b2 = layer_params
    # GINConv message passing: sum-aggregate neighbor features (scatter-add by dst)
    agg = jnp.zeros_like(h).at[dst].add(h[src])
    # (1 + eps) * x + agg, eps = 0 (PyG default, non-trainable)
    h = h + agg
    # MLP: Linear -> BatchNorm (batch stats, training mode) -> ReLU -> Dropout(p=0) -> Linear -> ReLU
    h = h @ W1 + b1
    mu = jnp.mean(h, axis=0)
    var = jnp.var(h, axis=0)
    h = (h - mu) / jnp.sqrt(var + BN_EPS) * gamma + beta
    h = jax.nn.relu(h)
    h = h @ W2 + b2
    h = jax.nn.relu(h)
    return h


def reference(x, edge_index, params):
    src = edge_index[0]
    dst = edge_index[1]
    h = x
    for lp in params:
        h = _gin_layer(h, src, dst, lp)
    return h

if __name__ == "__main__":
    import jax
    _d = setup_inputs()
    print(jax.jit(kernel)(*tuple(_d.values())))

</pallas_src>

<mosaic_0001>
#map = affine_map<(d0, d1) -> (0, 0)>
#map1 = affine_map<(d0, d1) -> (0, 0, 0)>
module attributes {stable_mosaic.version = 14 : i64} {
  func.func @k(%arg0: i32, %arg1: i32, %arg2: memref<10000x128xf32, #tpu.memory_space<hbm>>, %arg3: memref<32x10000xi32, #tpu.memory_space<hbm>>, %arg4: memref<32x125x80xi32, #tpu.memory_space<hbm>>, %arg5: memref<10000x128xf32, #tpu.memory_space<hbm>>, %arg6: memref<10000x128xf32, #tpu.memory_space<hbm>>, %arg7: memref<10000x128xf32, #tpu.memory_space<hbm>>, %arg8: memref<10000x128xf32, #tpu.memory_space<vmem_shared>>, %arg9: memref<125x80xi32, #tpu.memory_space<vmem>>, %arg10: memref<10000xi32, #tpu.memory_space<vmem>>, %arg11: memref<80x128xf32, #tpu.memory_space<vmem>>, %arg12: memref<80x128xf32, #tpu.memory_space<vmem>>, %arg13: memref<!tpu.dma_semaphore, #tpu.memory_space<semaphore_mem>>, %arg14: memref<!tpu.dma_semaphore, #tpu.memory_space<semaphore_mem>>, %arg15: memref<!tpu.dma_semaphore, #tpu.memory_space<semaphore_mem>>, %arg16: memref<!tpu.dma_semaphore, #tpu.memory_space<semaphore_mem>>) attributes {dimension_semantics = [#tpu.dimension_semantics<core_parallel>, #tpu.dimension_semantics<subcore_parallel>], iteration_bounds = array<i64: 2, 16>, scalar_prefetch = 0 : i64, scratch_operands = 9 : i64, tpu.core_type = #tpu.core_type<sc_vector_subcore>, window_params = [{transform_indices = #map}, {transform_indices = #map}, {transform_indices = #map1}, {transform_indices = #map}, {transform_indices = #map}, {transform_indices = #map}]} {
    %mul3A = arith.constant 2 : i32
    %mul3A_0 = arith.muli %arg1, %mul3A : i32
    %add3A = arith.addi %mul3A_0, %arg0 : i32
    %lt3A = arith.constant 10 : i32
    %lt3A_1 = arith.cmpi slt, %arg1, %lt3A : i32
    %convert_element_type3A = arith.extui %lt3A_1 : i1 to i32
    %cond3A = arith.constant 0 : i32
    %cond3A_2 = arith.cmpi ne, %convert_element_type3A, %cond3A : i32
    scf.if %cond3A_2 {
      %mul3A_69 = arith.constant 1000 : i32
      %mul3A_70 = arith.muli %arg1, %mul3A_69 : i32
      %eq3A = arith.constant 0 : i32
      %eq3A_71 = arith.cmpi eq, %arg0, %eq3A : i32
      %convert_element_type3A_72 = arith.extui %eq3A_71 : i1 to i32
      %cond3A_73 = arith.constant 0 : i32
      %cond3A_74 = arith.cmpi ne, %convert_element_type3A_72, %cond3A_73 : i32
      scf.if %cond3A_74 {
        %dma_start3A_79 = arith.constant 0 : i32
        %dma_start3A_80 = tpu.memref_slice %arg8[%mul3A_70, %dma_start3A_79] : memref<10000x128xf32, #tpu.memory_space<vmem_shared>> -> memref<1000x128xf32, #tpu.memory_space<vmem_shared>>
        %dma_start3A_81 = arith.constant 0 : i32
        %dma_start3A_82 = tpu.memref_slice %arg2[%mul3A_70, %dma_start3A_81] : memref<10000x128xf32, #tpu.memory_space<hbm>> -> memref<1000x128xf32, #tpu.memory_space<hbm>>
        tpu.enqueue_dma source(%dma_start3A_82 : memref<1000x128xf32, #tpu.memory_space<hbm>>) target(%dma_start3A_80 : memref<1000x128xf32, #tpu.memory_space<vmem_shared>>) target_semaphore(%arg13 : memref<!tpu.dma_semaphore, #tpu.memory_space<semaphore_mem>>)
      } else {
      }
      %ne3A = arith.constant 0 : i32
      %ne3A_75 = arith.cmpi ne, %arg0, %ne3A : i32
      %convert_element_type3A_76 = arith.extui %ne3A_75 : i1 to i32
      %cond3A_77 = arith.constant 0 : i32
      %cond3A_78 = arith.cmpi ne, %convert_element_type3A_76, %cond3A_77 : i32
      scf.if %cond3A_78 {
        %dma_start3A_79 = arith.constant 0 : i32
        %dma_start3A_80 = tpu.memref_slice %arg8[%mul3A_70, %dma_start3A_79] : memref<10000x128xf32, #tpu.memory_space<vmem_shared>> -> memref<1000x128xf32, #tpu.memory_space<vmem_shared>>
        %dma_start3A_81 = arith.constant 0 : i32
        %dma_start3A_82 = tpu.memref_slice %arg5[%mul3A_70, %dma_start3A_81] : memref<10000x128xf32, #tpu.memory_space<hbm>> -> memref<1000x128xf32, #tpu.memory_space<hbm>>
        tpu.enqueue_dma source(%dma_start3A_82 : memref<1000x128xf32, #tpu.memory_space<hbm>>) target(%dma_start3A_80 : memref<1000x128xf32, #tpu.memory_space<vmem_shared>>) target_semaphore(%arg13 : memref<!tpu.dma_semaphore, #tpu.memory_space<semaphore_mem>>)
      } else {
      }
    } else {
    }
    "tpu.region"() ({
      %run_scoped3A = tpu.sem_alloc : memref<!tpu.dma_semaphore, #tpu.memory_space<semaphore_mem>>
      %dma_start3A_69 = arith.constant 0 : i32
      %dma_start3A_70 = arith.constant 0 : i32
      %dma_start3A_71 = tpu.memref_slice %arg4[%add3A, %dma_start3A_69, %dma_start3A_70] : memref<32x125x80xi32, #tpu.memory_space<hbm>> -> memref<1x125x80xi32, #tpu.memory_space<hbm>>
      %dma_start3A_72 = tpu.memref_squeeze %dma_start3A_71 : memref<1x125x80xi32, #tpu.memory_space<hbm>> -> memref<125x80xi32, #tpu.memory_space<hbm>>
      %dma_start3A_73 = arith.constant 0 : i32
      %dma_start3A_74 = arith.constant 0 : i32
      %dma_start3A_75 = tpu.memref_slice %arg4[%add3A, %dma_start3A_73, %dma_start3A_74] : memref<32x125x80xi32, #tpu.memory_space<hbm>> -> memref<1x125x80xi32, #tpu.memory_space<hbm>>
      %dma_start3A_76 = tpu.memref_squeeze %dma_start3A_75 : memref<1x125x80xi32, #tpu.memory_space<hbm>> -> memref<125x80xi32, #tpu.memory_space<hbm>>
      tpu.enqueue_dma source(%dma_start3A_76 : memref<125x80xi32, #tpu.memory_space<hbm>>) target(%arg9 : memref<125x80xi32, #tpu.memory_space<vmem>>) target_semaphore(%run_scoped3A : memref<!tpu.dma_semaphore, #tpu.memory_space<semaphore_mem>>)
      %dma_wait3A_77 = arith.constant 0 : i32
      %dma_wait3A_78 = arith.constant 0 : i32
      %dma_wait3A_79 = tpu.memref_slice %arg4[%add3A, %dma_wait3A_77, %dma_wait3A_78] : memref<32x125x80xi32, #tpu.memory_space<hbm>> -> memref<1x125x80xi32, #tpu.memory_space<hbm>>
      %dma_wait3A_80 = tpu.memref_squeeze %dma_wait3A_79 : memref<1x125x80xi32, #tpu.memory_space<hbm>> -> memref<125x80xi32, #tpu.memory_space<hbm>>
      %dma_wait3A_81 = arith.constant 0 : i32
      %dma_wait3A_82 = arith.constant 0 : i32
      %dma_wait3A_83 = tpu.memref_slice %arg4[%add3A, %dma_wait3A_81, %dma_wait3A_82] : memref<32x125x80xi32, #tpu.memory_space<hbm>> -> memref<1x125x80xi32, #tpu.memory_space<hbm>>
      %dma_wait3A_84 = tpu.memref_squeeze %dma_wait3A_83 : memref<1x125x80xi32, #tpu.memory_space<hbm>> -> memref<125x80xi32, #tpu.memory_space<hbm>>
      tpu.wait_dma2 semaphore(%run_scoped3A : memref<!tpu.dma_semaphore, #tpu.memory_space<semaphore_mem>>) src(%dma_wait3A_84 : memref<125x80xi32, #tpu.memory_space<hbm>>) dst(%arg9 : memref<125x80xi32, #tpu.memory_space<vmem>>)
      tpu.yield
    }) : () -> ()
    "tpu.region"() ({
      %run_scoped3A = tpu.sem_alloc : memref<!tpu.dma_semaphore, #tpu.memory_space<semaphore_mem>>
      %dma_start3A_69 = arith.constant 0 : i32
      %dma_start3A_70 = tpu.memref_slice %arg3[%add3A, %dma_start3A_69] : memref<32x10000xi32, #tpu.memory_space<hbm>> -> memref<1x10000xi32, #tpu.memory_space<hbm>>
      %dma_start3A_71 = tpu.memref_squeeze %dma_start3A_70 : memref<1x10000xi32, #tpu.memory_space<hbm>> -> memref<10000xi32, #tpu.memory_space<hbm>>
      %dma_start3A_72 = arith.constant 0 : i32
      %dma_start3A_73 = tpu.memref_slice %arg3[%add3A, %dma_start3A_72] : memref<32x10000xi32, #tpu.memory_space<hbm>> -> memref<1x10000xi32, #tpu.memory_space<hbm>>
      %dma_start3A_74 = tpu.memref_squeeze %dma_start3A_73 : memref<1x10000xi32, #tpu.memory_space<hbm>> -> memref<10000xi32, #tpu.memory_space<hbm>>
      tpu.enqueue_dma source(%dma_start3A_74 : memref<10000xi32, #tpu.memory_space<hbm>>) target(%arg10 : memref<10000xi32, #tpu.memory_space<vmem>>) target_semaphore(%run_scoped3A : memref<!tpu.dma_semaphore, #tpu.memory_space<semaphore_mem>>)
      %dma_wait3A_75 = arith.constant 0 : i32
      %dma_wait3A_76 = tpu.memref_slice %arg3[%add3A, %dma_wait3A_75] : memref<32x10000xi32, #tpu.memory_space<hbm>> -> memref<1x10000xi32, #tpu.memory_space<hbm>>
      %dma_wait3A_77 = tpu.memref_squeeze %dma_wait3A_76 : memref<1x10000xi32, #tpu.memory_space<hbm>> -> memref<10000xi32, #tpu.memory_space<hbm>>
      %dma_wait3A_78 = arith.constant 0 : i32
      %dma_wait3A_79 = tpu.memref_slice %arg3[%add3A, %dma_wait3A_78] : memref<32x10000xi32, #tpu.memory_space<hbm>> -> memref<1x10000xi32, #tpu.memory_space<hbm>>
      %dma_wait3A_80 = tpu.memref_squeeze %dma_wait3A_79 : memref<1x10000xi32, #tpu.memory_space<hbm>> -> memref<10000xi32, #tpu.memory_space<hbm>>
      tpu.wait_dma2 semaphore(%run_scoped3A : memref<!tpu.dma_semaphore, #tpu.memory_space<semaphore_mem>>) src(%dma_wait3A_80 : memref<10000xi32, #tpu.memory_space<hbm>>) dst(%arg10 : memref<10000xi32, #tpu.memory_space<vmem>>)
      tpu.yield
    }) : () -> ()
    %lt3A_3 = arith.constant 10 : i32
    %lt3A_4 = arith.cmpi slt, %arg1, %lt3A_3 : i32
    %convert_element_type3A_5 = arith.extui %lt3A_4 : i1 to i32
    %cond3A_6 = arith.constant 0 : i32
    %cond3A_7 = arith.cmpi ne, %convert_element_type3A_5, %cond3A_6 : i32
    scf.if %cond3A_7 {
      %mul3A_69 = arith.constant 1000 : i32
      %mul3A_70 = arith.muli %arg1, %mul3A_69 : i32
      %dma_wait3A_71 = arith.constant 0 : i32
      %dma_wait3A_72 = tpu.memref_slice %arg8[%mul3A_70, %dma_wait3A_71] : memref<10000x128xf32, #tpu.memory_space<vmem_shared>> -> memref<1000x128xf32, #tpu.memory_space<vmem_shared>>
      %dma_wait3A_73 = arith.constant 0 : i32
      %dma_wait3A_74 = tpu.memref_slice %arg2[%mul3A_70, %dma_wait3A_73] : memref<10000x128xf32, #tpu.memory_space<hbm>> -> memref<1000x128xf32, #tpu.memory_space<hbm>>
      tpu.wait_dma2 semaphore(%arg13 : memref<!tpu.dma_semaphore, #tpu.memory_space<semaphore_mem>>) src(%dma_wait3A_74 : memref<1000x128xf32, #tpu.memory_space<hbm>>) dst(%dma_wait3A_72 : memref<1000x128xf32, #tpu.memory_space<vmem_shared>>)
    } else {
    }
    %barrier3A = arith.constant 0 : index
    tpu.barrier barrier_id(%barrier3A)
    %dma_start3A = arith.constant 0 : i32
    %dma_start3A_8 = arith.constant 0 : i32
    %dma_start3A_9 = tpu.memref_slice %arg11[%dma_start3A, %dma_start3A_8] : memref<80x128xf32, #tpu.memory_space<vmem>> -> memref<40x128xf32, #tpu.memory_space<vmem>>
    %dma_start3A_10 = arith.constant 0 : i32
    %dma_start3A_11 = tpu.memref_slice %arg10[%dma_start3A_10] : memref<10000xi32, #tpu.memory_space<vmem>> -> memref<40xi32, #tpu.memory_space<vmem>>
    %dma_start3A_12 = arith.constant 0 : i32
    %dma_start3A_13 = arith.constant 0 : i32
    %dma_start3A_14 = tpu.memref_slice %arg2[%dma_start3A_12, %dma_start3A_13] : memref<10000x128xf32, #tpu.memory_space<hbm>> -> memref<10000x128xf32, #tpu.memory_space<hbm>>
    tpu.enqueue_indirect_dma source(%dma_start3A_14 : memref<10000x128xf32, #tpu.memory_space<hbm>>) target(%dma_start3A_9 : memref<40x128xf32, #tpu.memory_space<vmem>>) offsets(%dma_start3A_11 : memref<40xi32, #tpu.memory_space<vmem>>) semaphore(%arg13 : memref<!tpu.dma_semaphore, #tpu.memory_space<semaphore_mem>>)
    %dma_start3A_15 = arith.constant 40 : i32
    %dma_start3A_16 = arith.constant 0 : i32
    %dma_start3A_17 = tpu.memref_slice %arg11[%dma_start3A_15, %dma_start3A_16] : memref<80x128xf32, #tpu.memory_space<vmem>> -> memref<40x128xf32, #tpu.memory_space<vmem>>
    %dma_start3A_18 = arith.constant 40 : i32
    %dma_start3A_19 = tpu.memref_slice %arg10[%dma_start3A_18] : memref<10000xi32, #tpu.memory_space<vmem>> -> memref<40xi32, #tpu.memory_space<vmem>>
    %dma_start3A_20 = arith.constant 0 : i32
    %dma_start3A_21 = arith.constant 0 : i32
    %dma_start3A_22 = tpu.memref_slice %arg2[%dma_start3A_20, %dma_start3A_21] : memref<10000x128xf32, #tpu.memory_space<hbm>> -> memref<10000x128xf32, #tpu.memory_space<hbm>>
    tpu.enqueue_indirect_dma source(%dma_start3A_22 : memref<10000x128xf32, #tpu.memory_space<hbm>>) target(%dma_start3A_17 : memref<40x128xf32, #tpu.memory_space<vmem>>) offsets(%dma_start3A_19 : memref<40xi32, #tpu.memory_space<vmem>>) semaphore(%arg13 : memref<!tpu.dma_semaphore, #tpu.memory_space<semaphore_mem>>)
    %scan3A = arith.constant 0 : i32
    %scan3A_23 = arith.constant 62 : i32
    %scan3A_24 = arith.addi %scan3A, %scan3A_23 : i32
    %scan3A_25 = arith.constant 1 : i32
    scf.for %scan3A_69 = %scan3A to %scan3A_24 step %scan3A_25  : i32 {
      %mul3A_70 = arith.constant 2 : i32
      %mul3A_71 = arith.muli %scan3A_69, %mul3A_70 : i32
      %add3A_72 = arith.constant 0 : i32
      %add3A_73 = arith.addi %add3A_72, %mul3A_71 : i32
      %gt3A = arith.constant 0 : i32
      %gt3A_74 = arith.cmpi sgt, %add3A_73, %gt3A : i32
      %convert_element_type3A_75 = arith.extui %gt3A_74 : i1 to i32
      %cond3A_76 = arith.constant 0 : i32
      %cond3A_77 = arith.cmpi ne, %convert_element_type3A_75, %cond3A_76 : i32
      scf.if %cond3A_77 {
        %dma_wait3A_171 = arith.constant 0 : i32
        %dma_wait3A_172 = arith.constant 0 : i32
        %dma_wait3A_173 = tpu.memref_slice %arg9[%dma_wait3A_171, %dma_wait3A_172] : memref<125x80xi32, #tpu.memory_space<vmem>> -> memref<1x80xi32, #tpu.memory_space<vmem>>
        %dma_wait3A_174 = tpu.memref_squeeze %dma_wait3A_173 : memref<1x80xi32, #tpu.memory_space<vmem>> -> memref<80xi32, #tpu.memory_space<vmem>>
        %dma_wait3A_175 = arith.constant 0 : i32
        %dma_wait3A_176 = arith.constant 0 : i32
        %dma_wait3A_177 = tpu.memref_slice %arg8[%dma_wait3A_175, %dma_wait3A_176] : memref<10000x128xf32, #tpu.memory_space<vmem_shared>> -> memref<10000x128xf32, #tpu.memory_space<vmem_shared>>
        tpu.wait_indirect_dma semaphore(%arg16 : memref<!tpu.dma_semaphore, #tpu.memory_space<semaphore_mem>>) src(%arg12 : memref<80x128xf32, #tpu.memory_space<vmem>>) dst(%dma_wait3A_177 : memref<10000x128xf32, #tpu.memory_space<vmem_shared>>)
      } else {
      }
      %add3A_78 = arith.constant 1 : i32
      %add3A_79 = arith.addi %add3A_73, %add3A_78 : i32
      %mul3A_80 = arith.constant 80 : i32
      %mul3A_81 = arith.muli %add3A_79, %mul3A_80 : i32
      %dma_start3A_82 = arith.constant 0 : i32
      %dma_start3A_83 = arith.constant 0 : i32
      %dma_start3A_84 = tpu.memref_slice %arg12[%dma_start3A_82, %dma_start3A_83] : memref<80x128xf32, #tpu.memory_space<vmem>> -> memref<40x128xf32, #tpu.memory_space<vmem>>
      %dma_start3A_85 = tpu.memref_slice %arg10[%mul3A_81] : memref<10000xi32, #tpu.memory_space<vmem>> -> memref<40xi32, #tpu.memory_space<vmem>>
      %dma_start3A_86 = arith.constant 0 : i32
      %dma_start3A_87 = arith.constant 0 : i32
      %dma_start3A_88 = tpu.memref_slice %arg2[%dma_start3A_86, %dma_start3A_87] : memref<10000x128xf32, #tpu.memory_space<hbm>> -> memref<10000x128xf32, #tpu.memory_space<hbm>>
      tpu.enqueue_indirect_dma source(%dma_start3A_88 : memref<10000x128xf32, #tpu.memory_space<hbm>>) target(%dma_start3A_84 : memref<40x128xf32, #tpu.memory_space<vmem>>) offsets(%dma_start3A_85 : memref<40xi32, #tpu.memory_space<vmem>>) semaphore(%arg14 : memref<!tpu.dma_semaphore, #tpu.memory_space<semaphore_mem>>)
      %add3A_89 = arith.constant 40 : i32
      %add3A_90 = arith.addi %mul3A_81, %add3A_89 : i32
      %dma_start3A_91 = arith.constant 40 : i32
      %dma_start3A_92 = arith.constant 0 : i32
      %dma_start3A_93 = tpu.memref_slice %arg12[%dma_start3A_91, %dma_start3A_92] : memref<80x128xf32, #tpu.memory_space<vmem>> -> memref<40x128xf32, #tpu.memory_space<vmem>>
      %dma_start3A_94 = tpu.memref_slice %arg10[%add3A_90] : memref<10000xi32, #tpu.memory_space<vmem>> -> memref<40xi32, #tpu.memory_space<vmem>>
      %dma_start3A_95 = arith.constant 0 : i32
      %dma_start3A_96 = arith.constant 0 : i32
      %dma_start3A_97 = tpu.memref_slice %arg2[%dma_start3A_95, %dma_start3A_96] : memref<10000x128xf32, #tpu.memory_space<hbm>> -> memref<10000x128xf32, #tpu.memory_space<hbm>>
      tpu.enqueue_indirect_dma source(%dma_start3A_97 : memref<10000x128xf32, #tpu.memory_space<hbm>>) target(%dma_start3A_93 : memref<40x128xf32, #tpu.memory_space<vmem>>) offsets(%dma_start3A_94 : memref<40xi32, #tpu.memory_space<vmem>>) semaphore(%arg14 : memref<!tpu.dma_semaphore, #tpu.memory_space<semaphore_mem>>)
      %dma_wait3A_98 = arith.constant 0 : i32
      %dma_wait3A_99 = arith.constant 0 : i32
      %dma_wait3A_100 = tpu.memref_slice %arg11[%dma_wait3A_98, %dma_wait3A_99] : memref<80x128xf32, #tpu.memory_space<vmem>> -> memref<40x128xf32, #tpu.memory_space<vmem>>
      %dma_wait3A_101 = arith.constant 0 : i32
      %dma_wait3A_102 = tpu.memref_slice %arg10[%dma_wait3A_101] : memref<10000xi32, #tpu.memory_space<vmem>> -> memref<40xi32, #tpu.memory_space<vmem>>
      %dma_wait3A_103 = arith.constant 0 : i32
      %dma_wait3A_104 = arith.constant 0 : i32
      %dma_wait3A_105 = tpu.memref_slice %arg2[%dma_wait3A_103, %dma_wait3A_104] : memref<10000x128xf32, #tpu.memory_space<hbm>> -> memref<10000x128xf32, #tpu.memory_space<hbm>>
      tpu.wait_indirect_dma semaphore(%arg13 : memref<!tpu.dma_semaphore, #tpu.memory_space<semaphore_mem>>) src(%dma_wait3A_105 : memref<10000x128xf32, #tpu.memory_space<hbm>>) dst(%dma_wait3A_100 : memref<40x128xf32, #tpu.memory_space<vmem>>)
      %dma_wait3A_106 = arith.constant 40 : i32
      %dma_wait3A_107 = arith.constant 0 : i32
      %dma_wait3A_108 = tpu.memref_slice %arg11[%dma_wait3A_106, %dma_wait3A_107] : memref<80x128xf32, #tpu.memory_space<vmem>> -> memref<40x128xf32, #tpu.memory_space<vmem>>
      %dma_wait3A_109 = arith.constant 0 : i32
      %dma_wait3A_110 = tpu.memref_slice %arg10[%dma_wait3A_109] : memref<10000xi32, #tpu.memory_space<vmem>> -> memref<40xi32, #tpu.memory_space<vmem>>
      %dma_wait3A_111 = arith.constant 0 : i32
      %dma_wait3A_112 = arith.constant 0 : i32
      %dma_wait3A_113 = tpu.memref_slice %arg2[%dma_wait3A_111, %dma_wait3A_112] : memref<10000x128xf32, #tpu.memory_space<hbm>> -> memref<10000x128xf32, #tpu.memory_space<hbm>>
      tpu.wait_indirect_dma semaphore(%arg13 : memref<!tpu.dma_semaphore, #tpu.memory_space<semaphore_mem>>) src(%dma_wait3A_113 : memref<10000x128xf32, #tpu.memory_space<hbm>>) dst(%dma_wait3A_108 : memref<40x128xf32, #tpu.memory_space<vmem>>)
      %dma_start3A_114 = arith.constant 0 : i32
      %dma_start3A_115 = tpu.memref_slice %arg9[%add3A_73, %dma_start3A_114] : memref<125x80xi32, #tpu.memory_space<vmem>> -> memref<1x80xi32, #tpu.memory_space<vmem>>
      %dma_start3A_116 = tpu.memref_squeeze %dma_start3A_115 : memref<1x80xi32, #tpu.memory_space<vmem>> -> memref<80xi32, #tpu.memory_space<vmem>>
      %dma_start3A_117 = arith.constant 0 : i32
      %dma_start3A_118 = arith.constant 0 : i32
      %dma_start3A_119 = tpu.memref_slice %arg8[%dma_start3A_117, %dma_start3A_118] : memref<10000x128xf32, #tpu.memory_space<vmem_shared>> -> memref<10000x128xf32, #tpu.memory_space<vmem_shared>>
      tpu.enqueue_indirect_dma source(%arg11 : memref<80x128xf32, #tpu.memory_space<vmem>>) target(%dma_start3A_119 : memref<10000x128xf32, #tpu.memory_space<vmem_shared>>) offsets(%dma_start3A_116 : memref<80xi32, #tpu.memory_space<vmem>>) semaphore(%arg15 : memref<!tpu.dma_semaphore, #tpu.memory_space<semaphore_mem>>) {add = true}
      %dma_wait3A_120 = arith.constant 0 : i32
      %dma_wait3A_121 = arith.constant 0 : i32
      %dma_wait3A_122 = tpu.memref_slice %arg9[%dma_wait3A_120, %dma_wait3A_121] : memref<125x80xi32, #tpu.memory_space<vmem>> -> memref<1x80xi32, #tpu.memory_space<vmem>>
      %dma_wait3A_123 = tpu.memref_squeeze %dma_wait3A_122 : memref<1x80xi32, #tpu.memory_space<vmem>> -> memref<80xi32, #tpu.memory_space<vmem>>
      %dma_wait3A_124 = arith.constant 0 : i32
      %dma_wait3A_125 = arith.constant 0 : i32
      %dma_wait3A_126 = tpu.memref_slice %arg8[%dma_wait3A_124, %dma_wait3A_125] : memref<10000x128xf32, #tpu.memory_space<vmem_shared>> -> memref<10000x128xf32, #tpu.memory_space<vmem_shared>>
      tpu.wait_indirect_dma semaphore(%arg15 : memref<!tpu.dma_semaphore, #tpu.memory_space<semaphore_mem>>) src(%arg11 : memref<80x128xf32, #tpu.memory_space<vmem>>) dst(%dma_wait3A_126 : memref<10000x128xf32, #tpu.memory_space<vmem_shared>>)
      %add3A_127 = arith.constant 2 : i32
      %add3A_128 = arith.addi %add3A_73, %add3A_127 : i32
      %mul3A_129 = arith.constant 80 : i32
      %mul3A_130 = arith.muli %add3A_128, %mul3A_129 : i32
      %dma_start3A_131 = arith.constant 0 : i32
      %dma_start3A_132 = arith.constant 0 : i32
      %dma_start3A_133 = tpu.memref_slice %arg11[%dma_start3A_131, %dma_start3A_132] : memref<80x128xf32, #tpu.memory_space<vmem>> -> memref<40x128xf32, #tpu.memory_space<vmem>>
      %dma_start3A_134 = tpu.memref_slice %arg10[%mul3A_130] : memref<10000xi32, #tpu.memory_space<vmem>> -> memref<40xi32, #tpu.memory_space<vmem>>
      %dma_start3A_135 = arith.constant 0 : i32
      %dma_start3A_136 = arith.constant 0 : i32
      %dma_start3A_137 = tpu.memref_slice %arg2[%dma_start3A_135, %dma_start3A_136] : memref<10000x128xf32, #tpu.memory_space<hbm>> -> memref<10000x128xf32, #tpu.memory_space<hbm>>
      tpu.enqueue_indirect_dma source(%dma_start3A_137 : memref<10000x128xf32, #tpu.memory_space<hbm>>) target(%dma_start3A_133 : memref<40x128xf32, #tpu.memory_space<vmem>>) offsets(%dma_start3A_134 : memref<40xi32, #tpu.memory_space<vmem>>) semaphore(%arg13 : memref<!tpu.dma_semaphore, #tpu.memory_space<semaphore_mem>>)
      %add3A_138 = arith.constant 40 : i32
      %add3A_139 = arith.addi %mul3A_130, %add3A_138 : i32
      %dma_start3A_140 = arith.constant 40 : i32
      %dma_start3A_141 = arith.constant 0 : i32
      %dma_start3A_142 = tpu.memref_slice %arg11[%dma_start3A_140, %dma_start3A_141] : memref<80x128xf32, #tpu.memory_space<vmem>> -> memref<40x128xf32, #tpu.memory_space<vmem>>
      %dma_start3A_143 = tpu.memref_slice %arg10[%add3A_139] : memref<10000xi32, #tpu.memory_space<vmem>> -> memref<40xi32, #tpu.memory_space<vmem>>
      %dma_start3A_144 = arith.constant 0 : i32
      %dma_start3A_145 = arith.constant 0 : i32
      %dma_start3A_146 = tpu.memref_slice %arg2[%dma_start3A_144, %dma_start3A_145] : memref<10000x128xf32, #tpu.memory_space<hbm>> -> memref<10000x128xf32, #tpu.memory_space<hbm>>
      tpu.enqueue_indirect_dma source(%dma_start3A_146 : memref<10000x128xf32, #tpu.memory_space<hbm>>) target(%dma_start3A_142 : memref<40x128xf32, #tpu.memory_space<vmem>>) offsets(%dma_start3A_143 : memref<40xi32, #tpu.memory_space<vmem>>) semaphore(%arg13 : memref<!tpu.dma_semaphore, #tpu.memory_space<semaphore_mem>>)
      %dma_wait3A_147 = arith.constant 0 : i32
      %dma_wait3A_148 = arith.constant 0 : i32
      %dma_wait3A_149 = tpu.memref_slice %arg12[%dma_wait3A_147, %dma_wait3A_148] : memref<80x128xf32, #tpu.memory_space<vmem>> -> memref<40x128xf32, #tpu.memory_space<vmem>>
      %dma_wait3A_150 = arith.constant 0 : i32
      %dma_wait3A_151 = tpu.memref_slice %arg10[%dma_wait3A_150] : memref<10000xi32, #tpu.memory_space<vmem>> -> memref<40xi32, #tpu.memory_space<vmem>>
      %dma_wait3A_152 = arith.constant 0 : i32
      %dma_wait3A_153 = arith.constant 0 : i32
      %dma_wait3A_154 = tpu.memref_slice %arg2[%dma_wait3A_152, %dma_wait3A_153] : memref<10000x128xf32, #tpu.memory_space<hbm>> -> memref<10000x128xf32, #tpu.memory_space<hbm>>
      tpu.wait_indirect_dma semaphore(%arg14 : memref<!tpu.dma_semaphore, #tpu.memory_space<semaphore_mem>>) src(%dma_wait3A_154 : memref<10000x128xf32, #tpu.memory_space<hbm>>) dst(%dma_wait3A_149 : memref<40x128xf32, #tpu.memory_space<vmem>>)
      %dma_wait3A_155 = arith.constant 40 : i32
      %dma_wait3A_156 = arith.constant 0 : i32
      %dma_wait3A_157 = tpu.memref_slice %arg12[%dma_wait3A_155, %dma_wait3A_156] : memref<80x128xf32, #tpu.memory_space<vmem>> -> memref<40x128xf32, #tpu.memory_space<vmem>>
      %dma_wait3A_158 = arith.constant 0 : i32
      %dma_wait3A_159 = tpu.memref_slice %arg10[%dma_wait3A_158] : memref<10000xi32, #tpu.memory_space<vmem>> -> memref<40xi32, #tpu.memory_space<vmem>>
      %dma_wait3A_160 = arith.constant 0 : i32
      %dma_wait3A_161 = arith.constant 0 : i32
      %dma_wait3A_162 = tpu.memref_slice %arg2[%dma_wait3A_160, %dma_wait3A_161] : memref<10000x128xf32, #tpu.memory_space<hbm>> -> memref<10000x128xf32, #tpu.memory_space<hbm>>
      tpu.wait_indirect_dma semaphore(%arg14 : memref<!tpu.dma_semaphore, #tpu.memory_space<semaphore_mem>>) src(%dma_wait3A_162 : memref<10000x128xf32, #tpu.memory_space<hbm>>) dst(%dma_wait3A_157 : memref<40x128xf32, #tpu.memory_space<vmem>>)
      %add3A_163 = arith.constant 1 : i32
      %add3A_164 = arith.addi %add3A_73, %add3A_163 : i32
      %dma_start3A_165 = arith.constant 0 : i32
      %dma_start3A_166 = tpu.memref_slice %arg9[%add3A_164, %dma_start3A_165] : memref<125x80xi32, #tpu.memory_space<vmem>> -> memref<1x80xi32, #tpu.memory_space<vmem>>
      %dma_start3A_167 = tpu.memref_squeeze %dma_start3A_166 : memref<1x80xi32, #tpu.memory_space<vmem>> -> memref<80xi32, #tpu.memory_space<vmem>>
      %dma_start3A_168 = arith.constant 0 : i32
      %dma_start3A_169 = arith.constant 0 : i32
      %dma_start3A_170 = tpu.memref_slice %arg8[%dma_start3A_168, %dma_start3A_169] : memref<10000x128xf32, #tpu.memory_space<vmem_shared>> -> memref<10000x128xf32, #tpu.memory_space<vmem_shared>>
      tpu.enqueue_indirect_dma source(%arg12 : memref<80x128xf32, #tpu.memory_space<vmem>>) target(%dma_start3A_170 : memref<10000x128xf32, #tpu.memory_space<vmem_shared>>) offsets(%dma_start3A_167 : memref<80xi32, #tpu.memory_space<vmem>>) semaphore(%arg16 : memref<!tpu.dma_semaphore, #tpu.memory_space<semaphore_mem>>) {add = true}
    }
    %scan3A_26 = arith.constant 62 : i32
    %dma_wait3A = arith.constant 0 : i32
    %dma_wait3A_27 = arith.constant 0 : i32
    %dma_wait3A_28 = tpu.memref_slice %arg11[%dma_wait3A, %dma_wait3A_27] : memref<80x128xf32, #tpu.memory_space<vmem>> -> memref<40x128xf32, #tpu.memory_space<vmem>>
    %dma_wait3A_29 = arith.constant 0 : i32
    %dma_wait3A_30 = tpu.memref_slice %arg10[%dma_wait3A_29] : memref<10000xi32, #tpu.memory_space<vmem>> -> memref<40xi32, #tpu.memory_space<vmem>>
    %dma_wait3A_31 = arith.constant 0 : i32
    %dma_wait3A_32 = arith.constant 0 : i32
    %dma_wait3A_33 = tpu.memref_slice %arg2[%dma_wait3A_31, %dma_wait3A_32] : memref<10000x128xf32, #tpu.memory_space<hbm>> -> memref<10000x128xf32, #tpu.memory_space<hbm>>
    tpu.wait_indirect_dma semaphore(%arg13 : memref<!tpu.dma_semaphore, #tpu.memory_space<semaphore_mem>>) src(%dma_wait3A_33 : memref<10000x128xf32, #tpu.memory_space<hbm>>) dst(%dma_wait3A_28 : memref<40x128xf32, #tpu.memory_space<vmem>>)
    %dma_wait3A_34 = arith.constant 40 : i32
    %dma_wait3A_35 = arith.constant 0 : i32
    %dma_wait3A_36 = tpu.memref_slice %arg11[%dma_wait3A_34, %dma_wait3A_35] : memref<80x128xf32, #tpu.memory_space<vmem>> -> memref<40x128xf32, #tpu.memory_space<vmem>>
    %dma_wait3A_37 = arith.constant 0 : i32
    %dma_wait3A_38 = tpu.memref_slice %arg10[%dma_wait3A_37] : memref<10000xi32, #tpu.memory_space<vmem>> -> memref<40xi32, #tpu.memory_space<vmem>>
    %dma_wait3A_39 = arith.constant 0 : i32
    %dma_wait3A_40 = arith.constant 0 : i32
    %dma_wait3A_41 = tpu.memref_slice %arg2[%dma_wait3A_39, %dma_wait3A_40] : memref<10000x128xf32, #tpu.memory_space<hbm>> -> memref<10000x128xf32, #tpu.memory_space<hbm>>
    tpu.wait_indirect_dma semaphore(%arg13 : memref<!tpu.dma_semaphore, #tpu.memory_space<semaphore_mem>>) src(%dma_wait3A_41 : memref<10000x128xf32, #tpu.memory_space<hbm>>) dst(%dma_wait3A_36 : memref<40x128xf32, #tpu.memory_space<vmem>>)
    %dma_start3A_42 = arith.constant 124 : i32
    %dma_start3A_43 = arith.constant 0 : i32
    %dma_start3A_44 = tpu.memref_slice %arg9[%dma_start3A_42, %dma_start3A_43] : memref<125x80xi32, #tpu.memory_space<vmem>> -> memref<1x80xi32, #tpu.memory_space<vmem>>
    %dma_start3A_45 = tpu.memref_squeeze %dma_start3A_44 : memref<1x80xi32, #tpu.memory_space<vmem>> -> memref<80xi32, #tpu.memory_space<vmem>>
    %dma_start3A_46 = arith.constant 0 : i32
    %dma_start3A_47 = arith.constant 0 : i32
    %dma_start3A_48 = tpu.memref_slice %arg8[%dma_start3A_46, %dma_start3A_47] : memref<10000x128xf32, #tpu.memory_space<vmem_shared>> -> memref<10000x128xf32, #tpu.memory_space<vmem_shared>>
    tpu.enqueue_indirect_dma source(%arg11 : memref<80x128xf32, #tpu.memory_space<vmem>>) target(%dma_start3A_48 : memref<10000x128xf32, #tpu.memory_space<vmem_shared>>) offsets(%dma_start3A_45 : memref<80xi32, #tpu.memory_space<vmem>>) semaphore(%arg15 : memref<!tpu.dma_semaphore, #tpu.memory_space<semaphore_mem>>) {add = true}
    %dma_wait3A_49 = arith.constant 0 : i32
    %dma_wait3A_50 = arith.constant 0 : i32
    %dma_wait3A_51 = tpu.memref_slice %arg9[%dma_wait3A_49, %dma_wait3A_50] : memref<125x80xi32, #tpu.memory_space<vmem>> -> memref<1x80xi32, #tpu.memory_space<vmem>>
    %dma_wait3A_52 = tpu.memref_squeeze %dma_wait3A_51 : memref<1x80xi32, #tpu.memory_space<vmem>> -> memref<80xi32, #tpu.memory_space<vmem>>
    %dma_wait3A_53 = arith.constant 0 : i32
    %dma_wait3A_54 = arith.constant 0 : i32
    %dma_wait3A_55 = tpu.memref_slice %arg8[%dma_wait3A_53, %dma_wait3A_54] : memref<10000x128xf32, #tpu.memory_space<vmem_shared>> -> memref<10000x128xf32, #tpu.memory_space<vmem_shared>>
    tpu.wait_indirect_dma semaphore(%arg16 : memref<!tpu.dma_semaphore, #tpu.memory_space<semaphore_mem>>) src(%arg12 : memref<80x128xf32, #tpu.memory_space<vmem>>) dst(%dma_wait3A_55 : memref<10000x128xf32, #tpu.memory_space<vmem_shared>>)
    %dma_wait3A_56 = arith.constant 0 : i32
    %dma_wait3A_57 = arith.constant 0 : i32
    %dma_wait3A_58 = tpu.memref_slice %arg9[%dma_wait3A_56, %dma_wait3A_57] : memref<125x80xi32, #tpu.memory_space<vmem>> -> memref<1x80xi32, #tpu.memory_space<vmem>>
    %dma_wait3A_59 = tpu.memref_squeeze %dma_wait3A_58 : memref<1x80xi32, #tpu.memory_space<vmem>> -> memref<80xi32, #tpu.memory_space<vmem>>
    %dma_wait3A_60 = arith.constant 0 : i32
    %dma_wait3A_61 = arith.constant 0 : i32
    %dma_wait3A_62 = tpu.memref_slice %arg8[%dma_wait3A_60, %dma_wait3A_61] : memref<10000x128xf32, #tpu.memory_space<vmem_shared>> -> memref<10000x128xf32, #tpu.memory_space<vmem_shared>>
    tpu.wait_indirect_dma semaphore(%arg15 : memref<!tpu.dma_semaphore, #tpu.memory_space<semaphore_mem>>) src(%arg11 : memref<80x128xf32, #tpu.memory_space<vmem>>) dst(%dma_wait3A_62 : memref<10000x128xf32, #tpu.memory_space<vmem_shared>>)
    %barrier3A_63 = arith.constant 0 : index
    tpu.barrier barrier_id(%barrier3A_63)
    %lt3A_64 = arith.constant 10 : i32
    %lt3A_65 = arith.cmpi slt, %arg1, %lt3A_64 : i32
    %convert_element_type3A_66 = arith.extui %lt3A_65 : i1 to i32
    %cond3A_67 = arith.constant 0 : i32
    %cond3A_68 = arith.cmpi ne, %convert_element_type3A_66, %cond3A_67 : i32
    scf.if %cond3A_68 {
      %mul3A_69 = arith.constant 1000 : i32
      %mul3A_70 = arith.muli %arg1, %mul3A_69 : i32
      %eq3A = arith.constant 0 : i32
      %eq3A_71 = arith.cmpi eq, %arg0, %eq3A : i32
      %convert_element_type3A_72 = arith.extui %eq3A_71 : i1 to i32
      %cond3A_73 = arith.constant 0 : i32
      %cond3A_74 = arith.cmpi ne, %convert_element_type3A_72, %cond3A_73 : i32
      scf.if %cond3A_74 {
        %dma_start3A_79 = arith.constant 0 : i32
        %dma_start3A_80 = tpu.memref_slice %arg6[%mul3A_70, %dma_start3A_79] : memref<10000x128xf32, #tpu.memory_space<hbm>> -> memref<1000x128xf32, #tpu.memory_space<hbm>>
        %dma_start3A_81 = arith.constant 0 : i32
        %dma_start3A_82 = tpu.memref_slice %arg8[%mul3A_70, %dma_start3A_81] : memref<10000x128xf32, #tpu.memory_space<vmem_shared>> -> memref<1000x128xf32, #tpu.memory_space<vmem_shared>>
        tpu.enqueue_dma source(%dma_start3A_82 : memref<1000x128xf32, #tpu.memory_space<vmem_shared>>) target(%dma_start3A_80 : memref<1000x128xf32, #tpu.memory_space<hbm>>) target_semaphore(%arg13 : memref<!tpu.dma_semaphore, #tpu.memory_space<semaphore_mem>>)
        %dma_wait3A_83 = arith.constant 0 : i32
        %dma_wait3A_84 = tpu.memref_slice %arg6[%mul3A_70, %dma_wait3A_83] : memref<10000x128xf32, #tpu.memory_space<hbm>> -> memref<1000x128xf32, #tpu.memory_space<hbm>>
        %dma_wait3A_85 = arith.constant 0 : i32
        %dma_wait3A_86 = tpu.memref_slice %arg8[%mul3A_70, %dma_wait3A_85] : memref<10000x128xf32, #tpu.memory_space<vmem_shared>> -> memref<1000x128xf32, #tpu.memory_space<vmem_shared>>
        tpu.wait_dma2 semaphore(%arg13 : memref<!tpu.dma_semaphore, #tpu.memory_space<semaphore_mem>>) src(%dma_wait3A_86 : memref<1000x128xf32, #tpu.memory_space<vmem_shared>>) dst(%dma_wait3A_84 : memref<1000x128xf32, #tpu.memory_space<hbm>>)
      } else {
      }
      %ne3A = arith.constant 0 : i32
      %ne3A_75 = arith.cmpi ne, %arg0, %ne3A : i32
      %convert_element_type3A_76 = arith.extui %ne3A_75 : i1 to i32
      %cond3A_77 = arith.constant 0 : i32
      %cond3A_78 = arith.cmpi ne, %convert_element_type3A_76, %cond3A_77 : i32
      scf.if %cond3A_78 {
        %dma_start3A_79 = arith.constant 0 : i32
        %dma_start3A_80 = tpu.memref_slice %arg7[%mul3A_70, %dma_start3A_79] : memref<10000x128xf32, #tpu.memory_space<hbm>> -> memref<1000x128xf32, #tpu.memory_space<hbm>>
        %dma_start3A_81 = arith.constant 0 : i32
        %dma_start3A_82 = tpu.memref_slice %arg8[%mul3A_70, %dma_start3A_81] : memref<10000x128xf32, #tpu.memory_space<vmem_shared>> -> memref<1000x128xf32, #tpu.memory_space<vmem_shared>>
        tpu.enqueue_dma source(%dma_start3A_82 : memref<1000x128xf32, #tpu.memory_space<vmem_shared>>) target(%dma_start3A_80 : memref<1000x128xf32, #tpu.memory_space<hbm>>) target_semaphore(%arg13 : memref<!tpu.dma_semaphore, #tpu.memory_space<semaphore_mem>>)
        %dma_wait3A_83 = arith.constant 0 : i32
        %dma_wait3A_84 = tpu.memref_slice %arg7[%mul3A_70, %dma_wait3A_83] : memref<10000x128xf32, #tpu.memory_space<hbm>> -> memref<1000x128xf32, #tpu.memory_space<hbm>>
        %dma_wait3A_85 = arith.constant 0 : i32
        %dma_wait3A_86 = tpu.memref_slice %arg8[%mul3A_70, %dma_wait3A_85] : memref<10000x128xf32, #tpu.memory_space<vmem_shared>> -> memref<1000x128xf32, #tpu.memory_space<vmem_shared>>
        tpu.wait_dma2 semaphore(%arg13 : memref<!tpu.dma_semaphore, #tpu.memory_space<semaphore_mem>>) src(%dma_wait3A_86 : memref<1000x128xf32, #tpu.memory_space<vmem_shared>>) dst(%dma_wait3A_84 : memref<1000x128xf32, #tpu.memory_space<hbm>>)
      } else {
      }
    } else {
    }
    return
  }
}

#map = affine_map<(d0, d1) -> (0, 0)>
#map1 = affine_map<(d0, d1) -> (0, 0, 0)>
module attributes {stable_mosaic.version = 14 : i64} {
  func.func @k(%arg0: i32, %arg1: i32, %arg2: memref<10000x128xf32, #tpu.memory_space<hbm>>, %arg3: memref<32x10000xi32, #tpu.memory_space<hbm>>, %arg4: memref<32x125x80xi32, #tpu.memory_space<hbm>>, %arg5: memref<10000x128xf32, #tpu.memory_space<hbm>>, %arg6: memref<10000x128xf32, #tpu.memory_space<hbm>>, %arg7: memref<10000x128xf32, #tpu.memory_space<hbm>>, %arg8: memref<10000x128xf32, #tpu.memory_space<vmem_shared>>, %arg9: memref<125x80xi32, #tpu.memory_space<vmem>>, %arg10: memref<10000xi32, #tpu.memory_space<vmem>>, %arg11: memref<80x128xf32, #tpu.memory_space<vmem>>, %arg12: memref<80x128xf32, #tpu.memory_space<vmem>>, %arg13: memref<!tpu.dma_semaphore, #tpu.memory_space<semaphore_mem>>, %arg14: memref<!tpu.dma_semaphore, #tpu.memory_space<semaphore_mem>>, %arg15: memref<!tpu.dma_semaphore, #tpu.memory_space<semaphore_mem>>, %arg16: memref<!tpu.dma_semaphore, #tpu.memory_space<semaphore_mem>>) attributes {dimension_semantics = [#tpu.dimension_semantics<core_parallel>, #tpu.dimension_semantics<subcore_parallel>], iteration_bounds = array<i64: 2, 16>, scalar_prefetch = 0 : i64, scratch_operands = 9 : i64, tpu.core_type = #tpu.core_type<sc_vector_subcore>, window_params = [{transform_indices = #map}, {transform_indices = #map}, {transform_indices = #map1}, {transform_indices = #map}, {transform_indices = #map}, {transform_indices = #map}]} {
    %mul3A = arith.constant 2 : i32
    %mul3A_0 = arith.muli %arg1, %mul3A : i32
    %add3A = arith.addi %mul3A_0, %arg0 : i32
    %lt3A = arith.constant 10 : i32
    %lt3A_1 = arith.cmpi slt, %arg1, %lt3A : i32
    %convert_element_type3A = arith.extui %lt3A_1 : i1 to i32
    %cond3A = arith.constant 0 : i32
    %cond3A_2 = arith.cmpi ne, %convert_element_type3A, %cond3A : i32
    scf.if %cond3A_2 {
      %mul3A_69 = arith.constant 1000 : i32
      %mul3A_70 = arith.muli %arg1, %mul3A_69 : i32
      %eq3A = arith.constant 0 : i32
      %eq3A_71 = arith.cmpi eq, %arg0, %eq3A : i32
      %convert_element_type3A_72 = arith.extui %eq3A_71 : i1 to i32
      %cond3A_73 = arith.constant 0 : i32
      %cond3A_74 = arith.cmpi ne, %convert_element_type3A_72, %cond3A_73 : i32
      scf.if %cond3A_74 {
        %dma_start3A_79 = arith.constant 0 : i32
        %dma_start3A_80 = tpu.memref_slice %arg8[%mul3A_70, %dma_start3A_79] : memref<10000x128xf32, #tpu.memory_space<vmem_shared>> -> memref<1000x128xf32, #tpu.memory_space<vmem_shared>>
        %dma_start3A_81 = arith.constant 0 : i32
        %dma_start3A_82 = tpu.memref_slice %arg2[%mul3A_70, %dma_start3A_81] : memref<10000x128xf32, #tpu.memory_space<hbm>> -> memref<1000x128xf32, #tpu.memory_space<hbm>>
        tpu.enqueue_dma source(%dma_start3A_82 : memref<1000x128xf32, #tpu.memory_space<hbm>>) target(%dma_start3A_80 : memref<1000x128xf32, #tpu.memory_space<vmem_shared>>) target_semaphore(%arg13 : memref<!tpu.dma_semaphore, #tpu.memory_space<semaphore_mem>>)
      } else {
      }
      %ne3A = arith.constant 0 : i32
      %ne3A_75 = arith.cmpi ne, %arg0, %ne3A : i32
      %convert_element_type3A_76 = arith.extui %ne3A_75 : i1 to i32
      %cond3A_77 = arith.constant 0 : i32
      %cond3A_78 = arith.cmpi ne, %convert_element_type3A_76, %cond3A_77 : i32
      scf.if %cond3A_78 {
        %dma_start3A_79 = arith.constant 0 : i32
        %dma_start3A_80 = tpu.memref_slice %arg8[%mul3A_70, %dma_start3A_79] : memref<10000x128xf32, #tpu.memory_space<vmem_shared>> -> memref<1000x128xf32, #tpu.memory_space<vmem_shared>>
        %dma_start3A_81 = arith.constant 0 : i32
        %dma_start3A_82 = tpu.memref_slice %arg5[%mul3A_70, %dma_start3A_81] : memref<10000x128xf32, #tpu.memory_space<hbm>> -> memref<1000x128xf32, #tpu.memory_space<hbm>>
        tpu.enqueue_dma source(%dma_start3A_82 : memref<1000x128xf32, #tpu.memory_space<hbm>>) target(%dma_start3A_80 : memref<1000x128xf32, #tpu.memory_space<vmem_shared>>) target_semaphore(%arg13 : memref<!tpu.dma_semaphore, #tpu.memory_space<semaphore_mem>>)
      } else {
      }
    } else {
    }
    "tpu.region"() ({
      %run_scoped3A = tpu.sem_alloc : memref<!tpu.dma_semaphore, #tpu.memory_space<semaphore_mem>>
      %dma_start3A_69 = arith.constant 0 : i32
      %dma_start3A_70 = arith.constant 0 : i32
      %dma_start3A_71 = tpu.memref_slice %arg4[%add3A, %dma_start3A_69, %dma_start3A_70] : memref<32x125x80xi32, #tpu.memory_space<hbm>> -> memref<1x125x80xi32, #tpu.memory_space<hbm>>
      %dma_start3A_72 = tpu.memref_squeeze %dma_start3A_71 : memref<1x125x80xi32, #tpu.memory_space<hbm>> -> memref<125x80xi32, #tpu.memory_space<hbm>>
      %dma_start3A_73 = arith.constant 0 : i32
      %dma_start3A_74 = arith.constant 0 : i32
      %dma_start3A_75 = tpu.memref_slice %arg4[%add3A, %dma_start3A_73, %dma_start3A_74] : memref<32x125x80xi32, #tpu.memory_space<hbm>> -> memref<1x125x80xi32, #tpu.memory_space<hbm>>
      %dma_start3A_76 = tpu.memref_squeeze %dma_start3A_75 : memref<1x125x80xi32, #tpu.memory_space<hbm>> -> memref<125x80xi32, #tpu.memory_space<hbm>>
      tpu.enqueue_dma source(%dma_start3A_76 : memref<125x80xi32, #tpu.memory_space<hbm>>) target(%arg9 : memref<125x80xi32, #tpu.memory_space<vmem>>) target_semaphore(%run_scoped3A : memref<!tpu.dma_semaphore, #tpu.memory_space<semaphore_mem>>)
      %dma_wait3A_77 = arith.constant 0 : i32
      %dma_wait3A_78 = arith.constant 0 : i32
      %dma_wait3A_79 = tpu.memref_slice %arg4[%add3A, %dma_wait3A_77, %dma_wait3A_78] : memref<32x125x80xi32, #tpu.memory_space<hbm>> -> memref<1x125x80xi32, #tpu.memory_space<hbm>>
      %dma_wait3A_80 = tpu.memref_squeeze %dma_wait3A_79 : memref<1x125x80xi32, #tpu.memory_space<hbm>> -> memref<125x80xi32, #tpu.memory_space<hbm>>
      %dma_wait3A_81 = arith.constant 0 : i32
      %dma_wait3A_82 = arith.constant 0 : i32
      %dma_wait3A_83 = tpu.memref_slice %arg4[%add3A, %dma_wait3A_81, %dma_wait3A_82] : memref<32x125x80xi32, #tpu.memory_space<hbm>> -> memref<1x125x80xi32, #tpu.memory_space<hbm>>
      %dma_wait3A_84 = tpu.memref_squeeze %dma_wait3A_83 : memref<1x125x80xi32, #tpu.memory_space<hbm>> -> memref<125x80xi32, #tpu.memory_space<hbm>>
      tpu.wait_dma2 semaphore(%run_scoped3A : memref<!tpu.dma_semaphore, #tpu.memory_space<semaphore_mem>>) src(%dma_wait3A_84 : memref<125x80xi32, #tpu.memory_space<hbm>>) dst(%arg9 : memref<125x80xi32, #tpu.memory_space<vmem>>)
      tpu.yield
    }) : () -> ()
    "tpu.region"() ({
      %run_scoped3A = tpu.sem_alloc : memref<!tpu.dma_semaphore, #tpu.memory_space<semaphore_mem>>
      %dma_start3A_69 = arith.constant 0 : i32
      %dma_start3A_70 = tpu.memref_slice %arg3[%add3A, %dma_start3A_69] : memref<32x10000xi32, #tpu.memory_space<hbm>> -> memref<1x10000xi32, #tpu.memory_space<hbm>>
      %dma_start3A_71 = tpu.memref_squeeze %dma_start3A_70 : memref<1x10000xi32, #tpu.memory_space<hbm>> -> memref<10000xi32, #tpu.memory_space<hbm>>
      %dma_start3A_72 = arith.constant 0 : i32
      %dma_start3A_73 = tpu.memref_slice %arg3[%add3A, %dma_start3A_72] : memref<32x10000xi32, #tpu.memory_space<hbm>> -> memref<1x10000xi32, #tpu.memory_space<hbm>>
      %dma_start3A_74 = tpu.memref_squeeze %dma_start3A_73 : memref<1x10000xi32, #tpu.memory_space<hbm>> -> memref<10000xi32, #tpu.memory_space<hbm>>
      tpu.enqueue_dma source(%dma_start3A_74 : memref<10000xi32, #tpu.memory_space<hbm>>) target(%arg10 : memref<10000xi32, #tpu.memory_space<vmem>>) target_semaphore(%run_scoped3A : memref<!tpu.dma_semaphore, #tpu.memory_space<semaphore_mem>>)
      %dma_wait3A_75 = arith.constant 0 : i32
      %dma_wait3A_76 = tpu.memref_slice %arg3[%add3A, %dma_wait3A_75] : memref<32x10000xi32, #tpu.memory_space<hbm>> -> memref<1x10000xi32, #tpu.memory_space<hbm>>
      %dma_wait3A_77 = tpu.memref_squeeze %dma_wait3A_76 : memref<1x10000xi32, #tpu.memory_space<hbm>> -> memref<10000xi32, #tpu.memory_space<hbm>>
      %dma_wait3A_78 = arith.constant 0 : i32
      %dma_wait3A_79 = tpu.memref_slice %arg3[%add3A, %dma_wait3A_78] : memref<32x10000xi32, #tpu.memory_space<hbm>> -> memref<1x10000xi32, #tpu.memory_space<hbm>>
      %dma_wait3A_80 = tpu.memref_squeeze %dma_wait3A_79 : memref<1x10000xi32, #tpu.memory_space<hbm>> -> memref<10000xi32, #tpu.memory_space<hbm>>
      tpu.wait_dma2 semaphore(%run_scoped3A : memref<!tpu.dma_semaphore, #tpu.memory_space<semaphore_mem>>) src(%dma_wait3A_80 : memref<10000xi32, #tpu.memory_space<hbm>>) dst(%arg10 : memref<10000xi32, #tpu.memory_space<vmem>>)
      tpu.yield
    }) : () -> ()
    %lt3A_3 = arith.constant 10 : i32
    %lt3A_4 = arith.cmpi slt, %arg1, %lt3A_3 : i32
    %convert_element_type3A_5 = arith.extui %lt3A_4 : i1 to i32
    %cond3A_6 = arith.constant 0 : i32
    %cond3A_7 = arith.cmpi ne, %convert_element_type3A_5, %cond3A_6 : i32
    scf.if %cond3A_7 {
      %mul3A_69 = arith.constant 1000 : i32
      %mul3A_70 = arith.muli %arg1, %mul3A_69 : i32
      %dma_wait3A_71 = arith.constant 0 : i32
      %dma_wait3A_72 = tpu.memref_slice %arg8[%mul3A_70, %dma_wait3A_71] : memref<10000x128xf32, #tpu.memory_space<vmem_shared>> -> memref<1000x128xf32, #tpu.memory_space<vmem_shared>>
      %dma_wait3A_73 = arith.constant 0 : i32
      %dma_wait3A_74 = tpu.memref_slice %arg2[%mul3A_70, %dma_wait3A_73] : memref<10000x128xf32, #tpu.memory_space<hbm>> -> memref<1000x128xf32, #tpu.memory_space<hbm>>
      tpu.wait_dma2 semaphore(%arg13 : memref<!tpu.dma_semaphore, #tpu.memory_space<semaphore_mem>>) src(%dma_wait3A_74 : memref<1000x128xf32, #tpu.memory_space<hbm>>) dst(%dma_wait3A_72 : memref<1000x128xf32, #tpu.memory_space<vmem_shared>>)
    } else {
    }
    %barrier3A = arith.constant 0 : index
    tpu.barrier barrier_id(%barrier3A)
    %dma_start3A = arith.constant 0 : i32
    %dma_start3A_8 = arith.constant 0 : i32
    %dma_start3A_9 = tpu.memref_slice %arg11[%dma_start3A, %dma_start3A_8] : memref<80x128xf32, #tpu.memory_space<vmem>> -> memref<40x128xf32, #tpu.memory_space<vmem>>
    %dma_start3A_10 = arith.constant 0 : i32
    %dma_start3A_11 = tpu.memref_slice %arg10[%dma_start3A_10] : memref<10000xi32, #tpu.memory_space<vmem>> -> memref<40xi32, #tpu.memory_space<vmem>>
    %dma_start3A_12 = arith.constant 0 : i32
    %dma_start3A_13 = arith.constant 0 : i32
    %dma_start3A_14 = tpu.memref_slice %arg2[%dma_start3A_12, %dma_start3A_13] : memref<10000x128xf32, #tpu.memory_space<hbm>> -> memref<10000x128xf32, #tpu.memory_space<hbm>>
    tpu.enqueue_indirect_dma source(%dma_start3A_14 : memref<10000x128xf32, #tpu.memory_space<hbm>>) target(%dma_start3A_9 : memref<40x128xf32, #tpu.memory_space<vmem>>) offsets(%dma_start3A_11 : memref<40xi32, #tpu.memory_space<vmem>>) semaphore(%arg13 : memref<!tpu.dma_semaphore, #tpu.memory_space<semaphore_mem>>)
    %dma_start3A_15 = arith.constant 40 : i32
    %dma_start3A_16 = arith.constant 0 : i32
    %dma_start3A_17 = tpu.memref_slice %arg11[%dma_start3A_15, %dma_start3A_16] : memref<80x128xf32, #tpu.memory_space<vmem>> -> memref<40x128xf32, #tpu.memory_space<vmem>>
    %dma_start3A_18 = arith.constant 40 : i32
    %dma_start3A_19 = tpu.memref_slice %arg10[%dma_start3A_18] : memref<10000xi32, #tpu.memory_space<vmem>> -> memref<40xi32, #tpu.memory_space<vmem>>
    %dma_start3A_20 = arith.constant 0 : i32
    %dma_start3A_21 = arith.constant 0 : i32
    %dma_start3A_22 = tpu.memref_slice %arg2[%dma_start3A_20, %dma_start3A_21] : memref<10000x128xf32, #tpu.memory_space<hbm>> -> memref<10000x128xf32, #tpu.memory_space<hbm>>
    tpu.enqueue_indirect_dma source(%dma_start3A_22 : memref<10000x128xf32, #tpu.memory_space<hbm>>) target(%dma_start3A_17 : memref<40x128xf32, #tpu.memory_space<vmem>>) offsets(%dma_start3A_19 : memref<40xi32, #tpu.memory_space<vmem>>) semaphore(%arg13 : memref<!tpu.dma_semaphore, #tpu.memory_space<semaphore_mem>>)
    %scan3A = arith.constant 0 : i32
    %scan3A_23 = arith.constant 62 : i32
    %scan3A_24 = arith.addi %scan3A, %scan3A_23 : i32
    %scan3A_25 = arith.constant 1 : i32
    scf.for %scan3A_69 = %scan3A to %scan3A_24 step %scan3A_25  : i32 {
      %mul3A_70 = arith.constant 2 : i32
      %mul3A_71 = arith.muli %scan3A_69, %mul3A_70 : i32
      %add3A_72 = arith.constant 0 : i32
      %add3A_73 = arith.addi %add3A_72, %mul3A_71 : i32
      %gt3A = arith.constant 0 : i32
      %gt3A_74 = arith.cmpi sgt, %add3A_73, %gt3A : i32
      %convert_element_type3A_75 = arith.extui %gt3A_74 : i1 to i32
      %cond3A_76 = arith.constant 0 : i32
      %cond3A_77 = arith.cmpi ne, %convert_element_type3A_75, %cond3A_76 : i32
      scf.if %cond3A_77 {
        %dma_wait3A_171 = arith.constant 0 : i32
        %dma_wait3A_172 = arith.constant 0 : i32
        %dma_wait3A_173 = tpu.memref_slice %arg9[%dma_wait3A_171, %dma_wait3A_172] : memref<125x80xi32, #tpu.memory_space<vmem>> -> memref<1x80xi32, #tpu.memory_space<vmem>>
        %dma_wait3A_174 = tpu.memref_squeeze %dma_wait3A_173 : memref<1x80xi32, #tpu.memory_space<vmem>> -> memref<80xi32, #tpu.memory_space<vmem>>
        %dma_wait3A_175 = arith.constant 0 : i32
        %dma_wait3A_176 = arith.constant 0 : i32
        %dma_wait3A_177 = tpu.memref_slice %arg8[%dma_wait3A_175, %dma_wait3A_176] : memref<10000x128xf32, #tpu.memory_space<vmem_shared>> -> memref<10000x128xf32, #tpu.memory_space<vmem_shared>>
        tpu.wait_indirect_dma semaphore(%arg16 : memref<!tpu.dma_semaphore, #tpu.memory_space<semaphore_mem>>) src(%arg12 : memref<80x128xf32, #tpu.memory_space<vmem>>) dst(%dma_wait3A_177 : memref<10000x128xf32, #tpu.memory_space<vmem_shared>>)
      } else {
      }
      %add3A_78 = arith.constant 1 : i32
      %add3A_79 = arith.addi %add3A_73, %add3A_78 : i32
      %mul3A_80 = arith.constant 80 : i32
      %mul3A_81 = arith.muli %add3A_79, %mul3A_80 : i32
      %dma_start3A_82 = arith.constant 0 : i32
      %dma_start3A_83 = arith.constant 0 : i32
      %dma_start3A_84 = tpu.memref_slice %arg12[%dma_start3A_82, %dma_start3A_83] : memref<80x128xf32, #tpu.memory_space<vmem>> -> memref<40x128xf32, #tpu.memory_space<vmem>>
      %dma_start3A_85 = tpu.memref_slice %arg10[%mul3A_81] : memref<10000xi32, #tpu.memory_space<vmem>> -> memref<40xi32, #tpu.memory_space<vmem>>
      %dma_start3A_86 = arith.constant 0 : i32
      %dma_start3A_87 = arith.constant 0 : i32
      %dma_start3A_88 = tpu.memref_slice %arg2[%dma_start3A_86, %dma_start3A_87] : memref<10000x128xf32, #tpu.memory_space<hbm>> -> memref<10000x128xf32, #tpu.memory_space<hbm>>
      tpu.enqueue_indirect_dma source(%dma_start3A_88 : memref<10000x128xf32, #tpu.memory_space<hbm>>) target(%dma_start3A_84 : memref<40x128xf32, #tpu.memory_space<vmem>>) offsets(%dma_start3A_85 : memref<40xi32, #tpu.memory_space<vmem>>) semaphore(%arg14 : memref<!tpu.dma_semaphore, #tpu.memory_space<semaphore_mem>>)
      %add3A_89 = arith.constant 40 : i32
      %add3A_90 = arith.addi %mul3A_81, %add3A_89 : i32
      %dma_start3A_91 = arith.constant 40 : i32
      %dma_start3A_92 = arith.constant 0 : i32
      %dma_start3A_93 = tpu.memref_slice %arg12[%dma_start3A_91, %dma_start3A_92] : memref<80x128xf32, #tpu.memory_space<vmem>> -> memref<40x128xf32, #tpu.memory_space<vmem>>
      %dma_start3A_94 = tpu.memref_slice %arg10[%add3A_90] : memref<10000xi32, #tpu.memory_space<vmem>> -> memref<40xi32, #tpu.memory_space<vmem>>
      %dma_start3A_95 = arith.constant 0 : i32
      %dma_start3A_96 = arith.constant 0 : i32
      %dma_start3A_97 = tpu.memref_slice %arg2[%dma_start3A_95, %dma_start3A_96] : memref<10000x128xf32, #tpu.memory_space<hbm>> -> memref<10000x128xf32, #tpu.memory_space<hbm>>
      tpu.enqueue_indirect_dma source(%dma_start3A_97 : memref<10000x128xf32, #tpu.memory_space<hbm>>) target(%dma_start3A_93 : memref<40x128xf32, #tpu.memory_space<vmem>>) offsets(%dma_start3A_94 : memref<40xi32, #tpu.memory_space<vmem>>) semaphore(%arg14 : memref<!tpu.dma_semaphore, #tpu.memory_space<semaphore_mem>>)
      %dma_wait3A_98 = arith.constant 0 : i32
      %dma_wait3A_99 = arith.constant 0 : i32
      %dma_wait3A_100 = tpu.memref_slice %arg11[%dma_wait3A_98, %dma_wait3A_99] : memref<80x128xf32, #tpu.memory_space<vmem>> -> memref<40x128xf32, #tpu.memory_space<vmem>>
      %dma_wait3A_101 = arith.constant 0 : i32
      %dma_wait3A_102 = tpu.memref_slice %arg10[%dma_wait3A_101] : memref<10000xi32, #tpu.memory_space<vmem>> -> memref<40xi32, #tpu.memory_space<vmem>>
      %dma_wait3A_103 = arith.constant 0 : i32
      %dma_wait3A_104 = arith.constant 0 : i32
      %dma_wait3A_105 = tpu.memref_slice %arg2[%dma_wait3A_103, %dma_wait3A_104] : memref<10000x128xf32, #tpu.memory_space<hbm>> -> memref<10000x128xf32, #tpu.memory_space<hbm>>
      tpu.wait_indirect_dma semaphore(%arg13 : memref<!tpu.dma_semaphore, #tpu.memory_space<semaphore_mem>>) src(%dma_wait3A_105 : memref<10000x128xf32, #tpu.memory_space<hbm>>) dst(%dma_wait3A_100 : memref<40x128xf32, #tpu.memory_space<vmem>>)
      %dma_wait3A_106 = arith.constant 40 : i32
      %dma_wait3A_107 = arith.constant 0 : i32
      %dma_wait3A_108 = tpu.memref_slice %arg11[%dma_wait3A_106, %dma_wait3A_107] : memref<80x128xf32, #tpu.memory_space<vmem>> -> memref<40x128xf32, #tpu.memory_space<vmem>>
      %dma_wait3A_109 = arith.constant 0 : i32
      %dma_wait3A_110 = tpu.memref_slice %arg10[%dma_wait3A_109] : memref<10000xi32, #tpu.memory_space<vmem>> -> memref<40xi32, #tpu.memory_space<vmem>>
      %dma_wait3A_111 = arith.constant 0 : i32
      %dma_wait3A_112 = arith.constant 0 : i32
      %dma_wait3A_113 = tpu.memref_slice %arg2[%dma_wait3A_111, %dma_wait3A_112] : memref<10000x128xf32, #tpu.memory_space<hbm>> -> memref<10000x128xf32, #tpu.memory_space<hbm>>
      tpu.wait_indirect_dma semaphore(%arg13 : memref<!tpu.dma_semaphore, #tpu.memory_space<semaphore_mem>>) src(%dma_wait3A_113 : memref<10000x128xf32, #tpu.memory_space<hbm>>) dst(%dma_wait3A_108 : memref<40x128xf32, #tpu.memory_space<vmem>>)
      %dma_start3A_114 = arith.constant 0 : i32
      %dma_start3A_115 = tpu.memref_slice %arg9[%add3A_73, %dma_start3A_114] : memref<125x80xi32, #tpu.memory_space<vmem>> -> memref<1x80xi32, #tpu.memory_space<vmem>>
      %dma_start3A_116 = tpu.memref_squeeze %dma_start3A_115 : memref<1x80xi32, #tpu.memory_space<vmem>> -> memref<80xi32, #tpu.memory_space<vmem>>
      %dma_start3A_117 = arith.constant 0 : i32
      %dma_start3A_118 = arith.constant 0 : i32
      %dma_start3A_119 = tpu.memref_slice %arg8[%dma_start3A_117, %dma_start3A_118] : memref<10000x128xf32, #tpu.memory_space<vmem_shared>> -> memref<10000x128xf32, #tpu.memory_space<vmem_shared>>
      tpu.enqueue_indirect_dma source(%arg11 : memref<80x128xf32, #tpu.memory_space<vmem>>) target(%dma_start3A_119 : memref<10000x128xf32, #tpu.memory_space<vmem_shared>>) offsets(%dma_start3A_116 : memref<80xi32, #tpu.memory_space<vmem>>) semaphore(%arg15 : memref<!tpu.dma_semaphore, #tpu.memory_space<semaphore_mem>>) {add = true}
      %dma_wait3A_120 = arith.constant 0 : i32
      %dma_wait3A_121 = arith.constant 0 : i32
      %dma_wait3A_122 = tpu.memref_slice %arg9[%dma_wait3A_120, %dma_wait3A_121] : memref<125x80xi32, #tpu.memory_space<vmem>> -> memref<1x80xi32, #tpu.memory_space<vmem>>
      %dma_wait3A_123 = tpu.memref_squeeze %dma_wait3A_122 : memref<1x80xi32, #tpu.memory_space<vmem>> -> memref<80xi32, #tpu.memory_space<vmem>>
      %dma_wait3A_124 = arith.constant 0 : i32
      %dma_wait3A_125 = arith.constant 0 : i32
      %dma_wait3A_126 = tpu.memref_slice %arg8[%dma_wait3A_124, %dma_wait3A_125] : memref<10000x128xf32, #tpu.memory_space<vmem_shared>> -> memref<10000x128xf32, #tpu.memory_space<vmem_shared>>
      tpu.wait_indirect_dma semaphore(%arg15 : memref<!tpu.dma_semaphore, #tpu.memory_space<semaphore_mem>>) src(%arg11 : memref<80x128xf32, #tpu.memory_space<vmem>>) dst(%dma_wait3A_126 : memref<10000x128xf32, #tpu.memory_space<vmem_shared>>)
      %add3A_127 = arith.constant 2 : i32
      %add3A_128 = arith.addi %add3A_73, %add3A_127 : i32
      %mul3A_129 = arith.constant 80 : i32
      %mul3A_130 = arith.muli %add3A_128, %mul3A_129 : i32
      %dma_start3A_131 = arith.constant 0 : i32
      %dma_start3A_132 = arith.constant 0 : i32
      %dma_start3A_133 = tpu.memref_slice %arg11[%dma_start3A_131, %dma_start3A_132] : memref<80x128xf32, #tpu.memory_space<vmem>> -> memref<40x128xf32, #tpu.memory_space<vmem>>
      %dma_start3A_134 = tpu.memref_slice %arg10[%mul3A_130] : memref<10000xi32, #tpu.memory_space<vmem>> -> memref<40xi32, #tpu.memory_space<vmem>>
      %dma_start3A_135 = arith.constant 0 : i32
      %dma_start3A_136 = arith.constant 0 : i32
      %dma_start3A_137 = tpu.memref_slice %arg2[%dma_start3A_135, %dma_start3A_136] : memref<10000x128xf32, #tpu.memory_space<hbm>> -> memref<10000x128xf32, #tpu.memory_space<hbm>>
      tpu.enqueue_indirect_dma source(%dma_start3A_137 : memref<10000x128xf32, #tpu.memory_space<hbm>>) target(%dma_start3A_133 : memref<40x128xf32, #tpu.memory_space<vmem>>) offsets(%dma_start3A_134 : memref<40xi32, #tpu.memory_space<vmem>>) semaphore(%arg13 : memref<!tpu.dma_semaphore, #tpu.memory_space<semaphore_mem>>)
      %add3A_138 = arith.constant 40 : i32
      %add3A_139 = arith.addi %mul3A_130, %add3A_138 : i32
      %dma_start3A_140 = arith.constant 40 : i32
      %dma_start3A_141 = arith.constant 0 : i32
      %dma_start3A_142 = tpu.memref_slice %arg11[%dma_start3A_140, %dma_start3A_141] : memref<80x128xf32, #tpu.memory_space<vmem>> -> memref<40x128xf32, #tpu.memory_space<vmem>>
      %dma_start3A_143 = tpu.memref_slice %arg10[%add3A_139] : memref<10000xi32, #tpu.memory_space<vmem>> -> memref<40xi32, #tpu.memory_space<vmem>>
      %dma_start3A_144 = arith.constant 0 : i32
      %dma_start3A_145 = arith.constant 0 : i32
      %dma_start3A_146 = tpu.memref_slice %arg2[%dma_start3A_144, %dma_start3A_145] : memref<10000x128xf32, #tpu.memory_space<hbm>> -> memref<10000x128xf32, #tpu.memory_space<hbm>>
      tpu.enqueue_indirect_dma source(%dma_start3A_146 : memref<10000x128xf32, #tpu.memory_space<hbm>>) target(%dma_start3A_142 : memref<40x128xf32, #tpu.memory_space<vmem>>) offsets(%dma_start3A_143 : memref<40xi32, #tpu.memory_space<vmem>>) semaphore(%arg13 : memref<!tpu.dma_semaphore, #tpu.memory_space<semaphore_mem>>)
      %dma_wait3A_147 = arith.constant 0 : i32
      %dma_wait3A_148 = arith.constant 0 : i32
      %dma_wait3A_149 = tpu.memref_slice %arg12[%dma_wait3A_147, %dma_wait3A_148] : memref<80x128xf32, #tpu.memory_space<vmem>> -> memref<40x128xf32, #tpu.memory_space<vmem>>
      %dma_wait3A_150 = arith.constant 0 : i32
      %dma_wait3A_151 = tpu.memref_slice %arg10[%dma_wait3A_150] : memref<10000xi32, #tpu.memory_space<vmem>> -> memref<40xi32, #tpu.memory_space<vmem>>
      %dma_wait3A_152 = arith.constant 0 : i32
      %dma_wait3A_153 = arith.constant 0 : i32
      %dma_wait3A_154 = tpu.memref_slice %arg2[%dma_wait3A_152, %dma_wait3A_153] : memref<10000x128xf32, #tpu.memory_space<hbm>> -> memref<10000x128xf32, #tpu.memory_space<hbm>>
      tpu.wait_indirect_dma semaphore(%arg14 : memref<!tpu.dma_semaphore, #tpu.memory_space<semaphore_mem>>) src(%dma_wait3A_154 : memref<10000x128xf32, #tpu.memory_space<hbm>>) dst(%dma_wait3A_149 : memref<40x128xf32, #tpu.memory_space<vmem>>)
      %dma_wait3A_155 = arith.constant 40 : i32
      %dma_wait3A_156 = arith.constant 0 : i32
      %dma_wait3A_157 = tpu.memref_slice %arg12[%dma_wait3A_155, %dma_wait3A_156] : memref<80x128xf32, #tpu.memory_space<vmem>> -> memref<40x128xf32, #tpu.memory_space<vmem>>
      %dma_wait3A_158 = arith.constant 0 : i32
      %dma_wait3A_159 = tpu.memref_slice %arg10[%dma_wait3A_158] : memref<10000xi32, #tpu.memory_space<vmem>> -> memref<40xi32, #tpu.memory_space<vmem>>
      %dma_wait3A_160 = arith.constant 0 : i32
      %dma_wait3A_161 = arith.constant 0 : i32
      %dma_wait3A_162 = tpu.memref_slice %arg2[%dma_wait3A_160, %dma_wait3A_161] : memref<10000x128xf32, #tpu.memory_space<hbm>> -> memref<10000x128xf32, #tpu.memory_space<hbm>>
      tpu.wait_indirect_dma semaphore(%arg14 : memref<!tpu.dma_semaphore, #tpu.memory_space<semaphore_mem>>) src(%dma_wait3A_162 : memref<10000x128xf32, #tpu.memory_space<hbm>>) dst(%dma_wait3A_157 : memref<40x128xf32, #tpu.memory_space<vmem>>)
      %add3A_163 = arith.constant 1 : i32
      %add3A_164 = arith.addi %add3A_73, %add3A_163 : i32
      %dma_start3A_165 = arith.constant 0 : i32
      %dma_start3A_166 = tpu.memref_slice %arg9[%add3A_164, %dma_start3A_165] : memref<125x80xi32, #tpu.memory_space<vmem>> -> memref<1x80xi32, #tpu.memory_space<vmem>>
      %dma_start3A_167 = tpu.memref_squeeze %dma_start3A_166 : memref<1x80xi32, #tpu.memory_space<vmem>> -> memref<80xi32, #tpu.memory_space<vmem>>
      %dma_start3A_168 = arith.constant 0 : i32
      %dma_start3A_169 = arith.constant 0 : i32
      %dma_start3A_170 = tpu.memref_slice %arg8[%dma_start3A_168, %dma_start3A_169] : memref<10000x128xf32, #tpu.memory_space<vmem_shared>> -> memref<10000x128xf32, #tpu.memory_space<vmem_shared>>
      tpu.enqueue_indirect_dma source(%arg12 : memref<80x128xf32, #tpu.memory_space<vmem>>) target(%dma_start3A_170 : memref<10000x128xf32, #tpu.memory_space<vmem_shared>>) offsets(%dma_start3A_167 : memref<80xi32, #tpu.memory_space<vmem>>) semaphore(%arg16 : memref<!tpu.dma_semaphore, #tpu.memory_space<semaphore_mem>>) {add = true}
    }
    %scan3A_26 = arith.constant 62 : i32
    %dma_wait3A = arith.constant 0 : i32
    %dma_wait3A_27 = arith.constant 0 : i32
    %dma_wait3A_28 = tpu.memref_slice %arg11[%dma_wait3A, %dma_wait3A_27] : memref<80x128xf32, #tpu.memory_space<vmem>> -> memref<40x128xf32, #tpu.memory_space<vmem>>
    %dma_wait3A_29 = arith.constant 0 : i32
    %dma_wait3A_30 = tpu.memref_slice %arg10[%dma_wait3A_29] : memref<10000xi32, #tpu.memory_space<vmem>> -> memref<40xi32, #tpu.memory_space<vmem>>
    %dma_wait3A_31 = arith.constant 0 : i32
    %dma_wait3A_32 = arith.constant 0 : i32
    %dma_wait3A_33 = tpu.memref_slice %arg2[%dma_wait3A_31, %dma_wait3A_32] : memref<10000x128xf32, #tpu.memory_space<hbm>> -> memref<10000x128xf32, #tpu.memory_space<hbm>>
    tpu.wait_indirect_dma semaphore(%arg13 : memref<!tpu.dma_semaphore, #tpu.memory_space<semaphore_mem>>) src(%dma_wait3A_33 : memref<10000x128xf32, #tpu.memory_space<hbm>>) dst(%dma_wait3A_28 : memref<40x128xf32, #tpu.memory_space<vmem>>)
    %dma_wait3A_34 = arith.constant 40 : i32
    %dma_wait3A_35 = arith.constant 0 : i32
    %dma_wait3A_36 = tpu.memref_slice %arg11[%dma_wait3A_34, %dma_wait3A_35] : memref<80x128xf32, #tpu.memory_space<vmem>> -> memref<40x128xf32, #tpu.memory_space<vmem>>
    %dma_wait3A_37 = arith.constant 0 : i32
    %dma_wait3A_38 = tpu.memref_slice %arg10[%dma_wait3A_37] : memref<10000xi32, #tpu.memory_space<vmem>> -> memref<40xi32, #tpu.memory_space<vmem>>
    %dma_wait3A_39 = arith.constant 0 : i32
    %dma_wait3A_40 = arith.constant 0 : i32
    %dma_wait3A_41 = tpu.memref_slice %arg2[%dma_wait3A_39, %dma_wait3A_40] : memref<10000x128xf32, #tpu.memory_space<hbm>> -> memref<10000x128xf32, #tpu.memory_space<hbm>>
    tpu.wait_indirect_dma semaphore(%arg13 : memref<!tpu.dma_semaphore, #tpu.memory_space<semaphore_mem>>) src(%dma_wait3A_41 : memref<10000x128xf32, #tpu.memory_space<hbm>>) dst(%dma_wait3A_36 : memref<40x128xf32, #tpu.memory_space<vmem>>)
    %dma_start3A_42 = arith.constant 124 : i32
    %dma_start3A_43 = arith.constant 0 : i32
    %dma_start3A_44 = tpu.memref_slice %arg9[%dma_start3A_42, %dma_start3A_43] : memref<125x80xi32, #tpu.memory_space<vmem>> -> memref<1x80xi32, #tpu.memory_space<vmem>>
    %dma_start3A_45 = tpu.memref_squeeze %dma_start3A_44 : memref<1x80xi32, #tpu.memory_space<vmem>> -> memref<80xi32, #tpu.memory_space<vmem>>
    %dma_start3A_46 = arith.constant 0 : i32
    %dma_start3A_47 = arith.constant 0 : i32
    %dma_start3A_48 = tpu.memref_slice %arg8[%dma_start3A_46, %dma_start3A_47] : memref<10000x128xf32, #tpu.memory_space<vmem_shared>> -> memref<10000x128xf32, #tpu.memory_space<vmem_shared>>
    tpu.enqueue_indirect_dma source(%arg11 : memref<80x128xf32, #tpu.memory_space<vmem>>) target(%dma_start3A_48 : memref<10000x128xf32, #tpu.memory_space<vmem_shared>>) offsets(%dma_start3A_45 : memref<80xi32, #tpu.memory_space<vmem>>) semaphore(%arg15 : memref<!tpu.dma_semaphore, #tpu.memory_space<semaphore_mem>>) {add = true}
    %dma_wait3A_49 = arith.constant 0 : i32
    %dma_wait3A_50 = arith.constant 0 : i32
    %dma_wait3A_51 = tpu.memref_slice %arg9[%dma_wait3A_49, %dma_wait3A_50] : memref<125x80xi32, #tpu.memory_space<vmem>> -> memref<1x80xi32, #tpu.memory_space<vmem>>
    %dma_wait3A_52 = tpu.memref_squeeze %dma_wait3A_51 : memref<1x80xi32, #tpu.memory_space<vmem>> -> memref<80xi32, #tpu.memory_space<vmem>>
    %dma_wait3A_53 = arith.constant 0 : i32
    %dma_wait3A_54 = arith.constant 0 : i32
    %dma_wait3A_55 = tpu.memref_slice %arg8[%dma_wait3A_53, %dma_wait3A_54] : memref<10000x128xf32, #tpu.memory_space<vmem_shared>> -> memref<10000x128xf32, #tpu.memory_space<vmem_shared>>
    tpu.wait_indirect_dma semaphore(%arg16 : memref<!tpu.dma_semaphore, #tpu.memory_space<semaphore_mem>>) src(%arg12 : memref<80x128xf32, #tpu.memory_space<vmem>>) dst(%dma_wait3A_55 : memref<10000x128xf32, #tpu.memory_space<vmem_shared>>)
    %dma_wait3A_56 = arith.constant 0 : i32
    %dma_wait3A_57 = arith.constant 0 : i32
    %dma_wait3A_58 = tpu.memref_slice %arg9[%dma_wait3A_56, %dma_wait3A_57] : memref<125x80xi32, #tpu.memory_space<vmem>> -> memref<1x80xi32, #tpu.memory_space<vmem>>
    %dma_wait3A_59 = tpu.memref_squeeze %dma_wait3A_58 : memref<1x80xi32, #tpu.memory_space<vmem>> -> memref<80xi32, #tpu.memory_space<vmem>>
    %dma_wait3A_60 = arith.constant 0 : i32
    %dma_wait3A_61 = arith.constant 0 : i32
    %dma_wait3A_62 = tpu.memref_slice %arg8[%dma_wait3A_60, %dma_wait3A_61] : memref<10000x128xf32, #tpu.memory_space<vmem_shared>> -> memref<10000x128xf32, #tpu.memory_space<vmem_shared>>
    tpu.wait_indirect_dma semaphore(%arg15 : memref<!tpu.dma_semaphore, #tpu.memory_space<semaphore_mem>>) src(%arg11 : memref<80x128xf32, #tpu.memory_space<vmem>>) dst(%dma_wait3A_62 : memref<10000x128xf32, #tpu.memory_space<vmem_shared>>)
    %barrier3A_63 = arith.constant 0 : index
    tpu.barrier barrier_id(%barrier3A_63)
    %lt3A_64 = arith.constant 10 : i32
    %lt3A_65 = arith.cmpi slt, %arg1, %lt3A_64 : i32
    %convert_element_type3A_66 = arith.extui %lt3A_65 : i1 to i32
    %cond3A_67 = arith.constant 0 : i32
    %cond3A_68 = arith.cmpi ne, %convert_element_type3A_66, %cond3A_67 : i32
    scf.if %cond3A_68 {
      %mul3A_69 = arith.constant 1000 : i32
      %mul3A_70 = arith.muli %arg1, %mul3A_69 : i32
      %eq3A = arith.constant 0 : i32
      %eq3A_71 = arith.cmpi eq, %arg0, %eq3A : i32
      %convert_element_type3A_72 = arith.extui %eq3A_71 : i1 to i32
      %cond3A_73 = arith.constant 0 : i32
      %cond3A_74 = arith.cmpi ne, %convert_element_type3A_72, %cond3A_73 : i32
      scf.if %cond3A_74 {
        %dma_start3A_79 = arith.constant 0 : i32
        %dma_start3A_80 = tpu.memref_slice %arg6[%mul3A_70, %dma_start3A_79] : memref<10000x128xf32, #tpu.memory_space<hbm>> -> memref<1000x128xf32, #tpu.memory_space<hbm>>
        %dma_start3A_81 = arith.constant 0 : i32
        %dma_start3A_82 = tpu.memref_slice %arg8[%mul3A_70, %dma_start3A_81] : memref<10000x128xf32, #tpu.memory_space<vmem_shared>> -> memref<1000x128xf32, #tpu.memory_space<vmem_shared>>
        tpu.enqueue_dma source(%dma_start3A_82 : memref<1000x128xf32, #tpu.memory_space<vmem_shared>>) target(%dma_start3A_80 : memref<1000x128xf32, #tpu.memory_space<hbm>>) target_semaphore(%arg13 : memref<!tpu.dma_semaphore, #tpu.memory_space<semaphore_mem>>)
        %dma_wait3A_83 = arith.constant 0 : i32
        %dma_wait3A_84 = tpu.memref_slice %arg6[%mul3A_70, %dma_wait3A_83] : memref<10000x128xf32, #tpu.memory_space<hbm>> -> memref<1000x128xf32, #tpu.memory_space<hbm>>
        %dma_wait3A_85 = arith.constant 0 : i32
        %dma_wait3A_86 = tpu.memref_slice %arg8[%mul3A_70, %dma_wait3A_85] : memref<10000x128xf32, #tpu.memory_space<vmem_shared>> -> memref<1000x128xf32, #tpu.memory_space<vmem_shared>>
        tpu.wait_dma2 semaphore(%arg13 : memref<!tpu.dma_semaphore, #tpu.memory_space<semaphore_mem>>) src(%dma_wait3A_86 : memref<1000x128xf32, #tpu.memory_space<vmem_shared>>) dst(%dma_wait3A_84 : memref<1000x128xf32, #tpu.memory_space<hbm>>)
      } else {
      }
      %ne3A = arith.constant 0 : i32
      %ne3A_75 = arith.cmpi ne, %arg0, %ne3A : i32
      %convert_element_type3A_76 = arith.extui %ne3A_75 : i1 to i32
      %cond3A_77 = arith.constant 0 : i32
      %cond3A_78 = arith.cmpi ne, %convert_element_type3A_76, %cond3A_77 : i32
      scf.if %cond3A_78 {
        %dma_start3A_79 = arith.constant 0 : i32
        %dma_start3A_80 = tpu.memref_slice %arg7[%mul3A_70, %dma_start3A_79] : memref<10000x128xf32, #tpu.memory_space<hbm>> -> memref<1000x128xf32, #tpu.memory_space<hbm>>
        %dma_start3A_81 = arith.constant 0 : i32
        %dma_start3A_82 = tpu.memref_slice %arg8[%mul3A_70, %dma_start3A_81] : memref<10000x128xf32, #tpu.memory_space<vmem_shared>> -> memref<1000x128xf32, #tpu.memory_space<vmem_shared>>
        tpu.enqueue_dma source(%dma_start3A_82 : memref<1000x128xf32, #tpu.memory_space<vmem_shared>>) target(%dma_start3A_80 : memref<1000x128xf32, #tpu.memory_space<hbm>>) target_semaphore(%arg13 : memref<!tpu.dma_semaphore, #tpu.memory_space<semaphore_mem>>)
        %dma_wait3A_83 = arith.constant 0 : i32
        %dma_wait3A_84 = tpu.memref_slice %arg7[%mul3A_70, %dma_wait3A_83] : memref<10000x128xf32, #tpu.memory_space<hbm>> -> memref<1000x128xf32, #tpu.memory_space<hbm>>
        %dma_wait3A_85 = arith.constant 0 : i32
        %dma_wait3A_86 = tpu.memref_slice %arg8[%mul3A_70, %dma_wait3A_85] : memref<10000x128xf32, #tpu.memory_space<vmem_shared>> -> memref<1000x128xf32, #tpu.memory_space<vmem_shared>>
        tpu.wait_dma2 semaphore(%arg13 : memref<!tpu.dma_semaphore, #tpu.memory_space<semaphore_mem>>) src(%dma_wait3A_86 : memref<1000x128xf32, #tpu.memory_space<vmem_shared>>) dst(%dma_wait3A_84 : memref<1000x128xf32, #tpu.memory_space<hbm>>)
      } else {
      }
    } else {
    }
    return
  }
}

#map = affine_map<(d0, d1) -> (0, 0)>
#map1 = affine_map<(d0, d1) -> (0, 0, 0)>
module attributes {stable_mosaic.version = 14 : i64} {
  func.func @k(%arg0: i32, %arg1: i32, %arg2: memref<10000x128xf32, #tpu.memory_space<hbm>>, %arg3: memref<32x10000xi32, #tpu.memory_space<hbm>>, %arg4: memref<32x125x80xi32, #tpu.memory_space<hbm>>, %arg5: memref<10000x128xf32, #tpu.memory_space<hbm>>, %arg6: memref<10000x128xf32, #tpu.memory_space<hbm>>, %arg7: memref<10000x128xf32, #tpu.memory_space<hbm>>, %arg8: memref<10000x128xf32, #tpu.memory_space<vmem_shared>>, %arg9: memref<125x80xi32, #tpu.memory_space<vmem>>, %arg10: memref<10000xi32, #tpu.memory_space<vmem>>, %arg11: memref<80x128xf32, #tpu.memory_space<vmem>>, %arg12: memref<80x128xf32, #tpu.memory_space<vmem>>, %arg13: memref<!tpu.dma_semaphore, #tpu.memory_space<semaphore_mem>>, %arg14: memref<!tpu.dma_semaphore, #tpu.memory_space<semaphore_mem>>, %arg15: memref<!tpu.dma_semaphore, #tpu.memory_space<semaphore_mem>>, %arg16: memref<!tpu.dma_semaphore, #tpu.memory_space<semaphore_mem>>) attributes {dimension_semantics = [#tpu.dimension_semantics<core_parallel>, #tpu.dimension_semantics<subcore_parallel>], iteration_bounds = array<i64: 2, 16>, scalar_prefetch = 0 : i64, scratch_operands = 9 : i64, tpu.core_type = #tpu.core_type<sc_vector_subcore>, window_params = [{transform_indices = #map}, {transform_indices = #map}, {transform_indices = #map1}, {transform_indices = #map}, {transform_indices = #map}, {transform_indices = #map}]} {
    %mul3A = arith.constant 2 : i32
    %mul3A_0 = arith.muli %arg1, %mul3A : i32
    %add3A = arith.addi %mul3A_0, %arg0 : i32
    %lt3A = arith.constant 10 : i32
    %lt3A_1 = arith.cmpi slt, %arg1, %lt3A : i32
    %convert_element_type3A = arith.extui %lt3A_1 : i1 to i32
    %cond3A = arith.constant 0 : i32
    %cond3A_2 = arith.cmpi ne, %convert_element_type3A, %cond3A : i32
    scf.if %cond3A_2 {
      %mul3A_69 = arith.constant 1000 : i32
      %mul3A_70 = arith.muli %arg1, %mul3A_69 : i32
      %eq3A = arith.constant 0 : i32
      %eq3A_71 = arith.cmpi eq, %arg0, %eq3A : i32
      %convert_element_type3A_72 = arith.extui %eq3A_71 : i1 to i32
      %cond3A_73 = arith.constant 0 : i32
      %cond3A_74 = arith.cmpi ne, %convert_element_type3A_72, %cond3A_73 : i32
      scf.if %cond3A_74 {
        %dma_start3A_79 = arith.constant 0 : i32
        %dma_start3A_80 = tpu.memref_slice %arg8[%mul3A_70, %dma_start3A_79] : memref<10000x128xf32, #tpu.memory_space<vmem_shared>> -> memref<1000x128xf32, #tpu.memory_space<vmem_shared>>
        %dma_start3A_81 = arith.constant 0 : i32
        %dma_start3A_82 = tpu.memref_slice %arg2[%mul3A_70, %dma_start3A_81] : memref<10000x128xf32, #tpu.memory_space<hbm>> -> memref<1000x128xf32, #tpu.memory_space<hbm>>
        tpu.enqueue_dma source(%dma_start3A_82 : memref<1000x128xf32, #tpu.memory_space<hbm>>) target(%dma_start3A_80 : memref<1000x128xf32, #tpu.memory_space<vmem_shared>>) target_semaphore(%arg13 : memref<!tpu.dma_semaphore, #tpu.memory_space<semaphore_mem>>)
      } else {
      }
      %ne3A = arith.constant 0 : i32
      %ne3A_75 = arith.cmpi ne, %arg0, %ne3A : i32
      %convert_element_type3A_76 = arith.extui %ne3A_75 : i1 to i32
      %cond3A_77 = arith.constant 0 : i32
      %cond3A_78 = arith.cmpi ne, %convert_element_type3A_76, %cond3A_77 : i32
      scf.if %cond3A_78 {
        %dma_start3A_79 = arith.constant 0 : i32
        %dma_start3A_80 = tpu.memref_slice %arg8[%mul3A_70, %dma_start3A_79] : memref<10000x128xf32, #tpu.memory_space<vmem_shared>> -> memref<1000x128xf32, #tpu.memory_space<vmem_shared>>
        %dma_start3A_81 = arith.constant 0 : i32
        %dma_start3A_82 = tpu.memref_slice %arg5[%mul3A_70, %dma_start3A_81] : memref<10000x128xf32, #tpu.memory_space<hbm>> -> memref<1000x128xf32, #tpu.memory_space<hbm>>
        tpu.enqueue_dma source(%dma_start3A_82 : memref<1000x128xf32, #tpu.memory_space<hbm>>) target(%dma_start3A_80 : memref<1000x128xf32, #tpu.memory_space<vmem_shared>>) target_semaphore(%arg13 : memref<!tpu.dma_semaphore, #tpu.memory_space<semaphore_mem>>)
      } else {
      }
    } else {
    }
    "tpu.region"() ({
      %run_scoped3A = tpu.sem_alloc : memref<!tpu.dma_semaphore, #tpu.memory_space<semaphore_mem>>
      %dma_start3A_69 = arith.constant 0 : i32
      %dma_start3A_70 = arith.constant 0 : i32
      %dma_start3A_71 = tpu.memref_slice %arg4[%add3A, %dma_start3A_69, %dma_start3A_70] : memref<32x125x80xi32, #tpu.memory_space<hbm>> -> memref<1x125x80xi32, #tpu.memory_space<hbm>>
      %dma_start3A_72 = tpu.memref_squeeze %dma_start3A_71 : memref<1x125x80xi32, #tpu.memory_space<hbm>> -> memref<125x80xi32, #tpu.memory_space<hbm>>
      %dma_start3A_73 = arith.constant 0 : i32
      %dma_start3A_74 = arith.constant 0 : i32
      %dma_start3A_75 = tpu.memref_slice %arg4[%add3A, %dma_start3A_73, %dma_start3A_74] : memref<32x125x80xi32, #tpu.memory_space<hbm>> -> memref<1x125x80xi32, #tpu.memory_space<hbm>>
      %dma_start3A_76 = tpu.memref_squeeze %dma_start3A_75 : memref<1x125x80xi32, #tpu.memory_space<hbm>> -> memref<125x80xi32, #tpu.memory_space<hbm>>
      tpu.enqueue_dma source(%dma_start3A_76 : memref<125x80xi32, #tpu.memory_space<hbm>>) target(%arg9 : memref<125x80xi32, #tpu.memory_space<vmem>>) target_semaphore(%run_scoped3A : memref<!tpu.dma_semaphore, #tpu.memory_space<semaphore_mem>>)
      %dma_wait3A_77 = arith.constant 0 : i32
      %dma_wait3A_78 = arith.constant 0 : i32
      %dma_wait3A_79 = tpu.memref_slice %arg4[%add3A, %dma_wait3A_77, %dma_wait3A_78] : memref<32x125x80xi32, #tpu.memory_space<hbm>> -> memref<1x125x80xi32, #tpu.memory_space<hbm>>
      %dma_wait3A_80 = tpu.memref_squeeze %dma_wait3A_79 : memref<1x125x80xi32, #tpu.memory_space<hbm>> -> memref<125x80xi32, #tpu.memory_space<hbm>>
      %dma_wait3A_81 = arith.constant 0 : i32
      %dma_wait3A_82 = arith.constant 0 : i32
      %dma_wait3A_83 = tpu.memref_slice %arg4[%add3A, %dma_wait3A_81, %dma_wait3A_82] : memref<32x125x80xi32, #tpu.memory_space<hbm>> -> memref<1x125x80xi32, #tpu.memory_space<hbm>>
      %dma_wait3A_84 = tpu.memref_squeeze %dma_wait3A_83 : memref<1x125x80xi32, #tpu.memory_space<hbm>> -> memref<125x80xi32, #tpu.memory_space<hbm>>
      tpu.wait_dma2 semaphore(%run_scoped3A : memref<!tpu.dma_semaphore, #tpu.memory_space<semaphore_mem>>) src(%dma_wait3A_84 : memref<125x80xi32, #tpu.memory_space<hbm>>) dst(%arg9 : memref<125x80xi32, #tpu.memory_space<vmem>>)
      tpu.yield
    }) : () -> ()
    "tpu.region"() ({
      %run_scoped3A = tpu.sem_alloc : memref<!tpu.dma_semaphore, #tpu.memory_space<semaphore_mem>>
      %dma_start3A_69 = arith.constant 0 : i32
      %dma_start3A_70 = tpu.memref_slice %arg3[%add3A, %dma_start3A_69] : memref<32x10000xi32, #tpu.memory_space<hbm>> -> memref<1x10000xi32, #tpu.memory_space<hbm>>
      %dma_start3A_71 = tpu.memref_squeeze %dma_start3A_70 : memref<1x10000xi32, #tpu.memory_space<hbm>> -> memref<10000xi32, #tpu.memory_space<hbm>>
      %dma_start3A_72 = arith.constant 0 : i32
      %dma_start3A_73 = tpu.memref_slice %arg3[%add3A, %dma_start3A_72] : memref<32x10000xi32, #tpu.memory_space<hbm>> -> memref<1x10000xi32, #tpu.memory_space<hbm>>
      %dma_start3A_74 = tpu.memref_squeeze %dma_start3A_73 : memref<1x10000xi32, #tpu.memory_space<hbm>> -> memref<10000xi32, #tpu.memory_space<hbm>>
      tpu.enqueue_dma source(%dma_start3A_74 : memref<10000xi32, #tpu.memory_space<hbm>>) target(%arg10 : memref<10000xi32, #tpu.memory_space<vmem>>) target_semaphore(%run_scoped3A : memref<!tpu.dma_semaphore, #tpu.memory_space<semaphore_mem>>)
      %dma_wait3A_75 = arith.constant 0 : i32
      %dma_wait3A_76 = tpu.memref_slice %arg3[%add3A, %dma_wait3A_75] : memref<32x10000xi32, #tpu.memory_space<hbm>> -> memref<1x10000xi32, #tpu.memory_space<hbm>>
      %dma_wait3A_77 = tpu.memref_squeeze %dma_wait3A_76 : memref<1x10000xi32, #tpu.memory_space<hbm>> -> memref<10000xi32, #tpu.memory_space<hbm>>
      %dma_wait3A_78 = arith.constant 0 : i32
      %dma_wait3A_79 = tpu.memref_slice %arg3[%add3A, %dma_wait3A_78] : memref<32x10000xi32, #tpu.memory_space<hbm>> -> memref<1x10000xi32, #tpu.memory_space<hbm>>
      %dma_wait3A_80 = tpu.memref_squeeze %dma_wait3A_79 : memref<1x10000xi32, #tpu.memory_space<hbm>> -> memref<10000xi32, #tpu.memory_space<hbm>>
      tpu.wait_dma2 semaphore(%run_scoped3A : memref<!tpu.dma_semaphore, #tpu.memory_space<semaphore_mem>>) src(%dma_wait3A_80 : memref<10000xi32, #tpu.memory_space<hbm>>) dst(%arg10 : memref<10000xi32, #tpu.memory_space<vmem>>)
      tpu.yield
    }) : () -> ()
    %lt3A_3 = arith.constant 10 : i32
    %lt3A_4 = arith.cmpi slt, %arg1, %lt3A_3 : i32
    %convert_element_type3A_5 = arith.extui %lt3A_4 : i1 to i32
    %cond3A_6 = arith.constant 0 : i32
    %cond3A_7 = arith.cmpi ne, %convert_element_type3A_5, %cond3A_6 : i32
    scf.if %cond3A_7 {
      %mul3A_69 = arith.constant 1000 : i32
      %mul3A_70 = arith.muli %arg1, %mul3A_69 : i32
      %dma_wait3A_71 = arith.constant 0 : i32
      %dma_wait3A_72 = tpu.memref_slice %arg8[%mul3A_70, %dma_wait3A_71] : memref<10000x128xf32, #tpu.memory_space<vmem_shared>> -> memref<1000x128xf32, #tpu.memory_space<vmem_shared>>
      %dma_wait3A_73 = arith.constant 0 : i32
      %dma_wait3A_74 = tpu.memref_slice %arg2[%mul3A_70, %dma_wait3A_73] : memref<10000x128xf32, #tpu.memory_space<hbm>> -> memref<1000x128xf32, #tpu.memory_space<hbm>>
      tpu.wait_dma2 semaphore(%arg13 : memref<!tpu.dma_semaphore, #tpu.memory_space<semaphore_mem>>) src(%dma_wait3A_74 : memref<1000x128xf32, #tpu.memory_space<hbm>>) dst(%dma_wait3A_72 : memref<1000x128xf32, #tpu.memory_space<vmem_shared>>)
    } else {
    }
    %barrier3A = arith.constant 0 : index
    tpu.barrier barrier_id(%barrier3A)
    %dma_start3A = arith.constant 0 : i32
    %dma_start3A_8 = arith.constant 0 : i32
    %dma_start3A_9 = tpu.memref_slice %arg11[%dma_start3A, %dma_start3A_8] : memref<80x128xf32, #tpu.memory_space<vmem>> -> memref<40x128xf32, #tpu.memory_space<vmem>>
    %dma_start3A_10 = arith.constant 0 : i32
    %dma_start3A_11 = tpu.memref_slice %arg10[%dma_start3A_10] : memref<10000xi32, #tpu.memory_space<vmem>> -> memref<40xi32, #tpu.memory_space<vmem>>
    %dma_start3A_12 = arith.constant 0 : i32
    %dma_start3A_13 = arith.constant 0 : i32
    %dma_start3A_14 = tpu.memref_slice %arg2[%dma_start3A_12, %dma_start3A_13] : memref<10000x128xf32, #tpu.memory_space<hbm>> -> memref<10000x128xf32, #tpu.memory_space<hbm>>
    tpu.enqueue_indirect_dma source(%dma_start3A_14 : memref<10000x128xf32, #tpu.memory_space<hbm>>) target(%dma_start3A_9 : memref<40x128xf32, #tpu.memory_space<vmem>>) offsets(%dma_start3A_11 : memref<40xi32, #tpu.memory_space<vmem>>) semaphore(%arg13 : memref<!tpu.dma_semaphore, #tpu.memory_space<semaphore_mem>>)
    %dma_start3A_15 = arith.constant 40 : i32
    %dma_start3A_16 = arith.constant 0 : i32
    %dma_start3A_17 = tpu.memref_slice %arg11[%dma_start3A_15, %dma_start3A_16] : memref<80x128xf32, #tpu.memory_space<vmem>> -> memref<40x128xf32, #tpu.memory_space<vmem>>
    %dma_start3A_18 = arith.constant 40 : i32
    %dma_start3A_19 = tpu.memref_slice %arg10[%dma_start3A_18] : memref<10000xi32, #tpu.memory_space<vmem>> -> memref<40xi32, #tpu.memory_space<vmem>>
    %dma_start3A_20 = arith.constant 0 : i32
    %dma_start3A_21 = arith.constant 0 : i32
    %dma_start3A_22 = tpu.memref_slice %arg2[%dma_start3A_20, %dma_start3A_21] : memref<10000x128xf32, #tpu.memory_space<hbm>> -> memref<10000x128xf32, #tpu.memory_space<hbm>>
    tpu.enqueue_indirect_dma source(%dma_start3A_22 : memref<10000x128xf32, #tpu.memory_space<hbm>>) target(%dma_start3A_17 : memref<40x128xf32, #tpu.memory_space<vmem>>) offsets(%dma_start3A_19 : memref<40xi32, #tpu.memory_space<vmem>>) semaphore(%arg13 : memref<!tpu.dma_semaphore, #tpu.memory_space<semaphore_mem>>)
    %scan3A = arith.constant 0 : i32
    %scan3A_23 = arith.constant 62 : i32
    %scan3A_24 = arith.addi %scan3A, %scan3A_23 : i32
    %scan3A_25 = arith.constant 1 : i32
    scf.for %scan3A_69 = %scan3A to %scan3A_24 step %scan3A_25  : i32 {
      %mul3A_70 = arith.constant 2 : i32
      %mul3A_71 = arith.muli %scan3A_69, %mul3A_70 : i32
      %add3A_72 = arith.constant 0 : i32
      %add3A_73 = arith.addi %add3A_72, %mul3A_71 : i32
      %gt3A = arith.constant 0 : i32
      %gt3A_74 = arith.cmpi sgt, %add3A_73, %gt3A : i32
      %convert_element_type3A_75 = arith.extui %gt3A_74 : i1 to i32
      %cond3A_76 = arith.constant 0 : i32
      %cond3A_77 = arith.cmpi ne, %convert_element_type3A_75, %cond3A_76 : i32
      scf.if %cond3A_77 {
        %dma_wait3A_171 = arith.constant 0 : i32
        %dma_wait3A_172 = arith.constant 0 : i32
        %dma_wait3A_173 = tpu.memref_slice %arg9[%dma_wait3A_171, %dma_wait3A_172] : memref<125x80xi32, #tpu.memory_space<vmem>> -> memref<1x80xi32, #tpu.memory_space<vmem>>
        %dma_wait3A_174 = tpu.memref_squeeze %dma_wait3A_173 : memref<1x80xi32, #tpu.memory_space<vmem>> -> memref<80xi32, #tpu.memory_space<vmem>>
        %dma_wait3A_175 = arith.constant 0 : i32
        %dma_wait3A_176 = arith.constant 0 : i32
        %dma_wait3A_177 = tpu.memref_slice %arg8[%dma_wait3A_175, %dma_wait3A_176] : memref<10000x128xf32, #tpu.memory_space<vmem_shared>> -> memref<10000x128xf32, #tpu.memory_space<vmem_shared>>
        tpu.wait_indirect_dma semaphore(%arg16 : memref<!tpu.dma_semaphore, #tpu.memory_space<semaphore_mem>>) src(%arg12 : memref<80x128xf32, #tpu.memory_space<vmem>>) dst(%dma_wait3A_177 : memref<10000x128xf32, #tpu.memory_space<vmem_shared>>)
      } else {
      }
      %add3A_78 = arith.constant 1 : i32
      %add3A_79 = arith.addi %add3A_73, %add3A_78 : i32
      %mul3A_80 = arith.constant 80 : i32
      %mul3A_81 = arith.muli %add3A_79, %mul3A_80 : i32
      %dma_start3A_82 = arith.constant 0 : i32
      %dma_start3A_83 = arith.constant 0 : i32
      %dma_start3A_84 = tpu.memref_slice %arg12[%dma_start3A_82, %dma_start3A_83] : memref<80x128xf32, #tpu.memory_space<vmem>> -> memref<40x128xf32, #tpu.memory_space<vmem>>
      %dma_start3A_85 = tpu.memref_slice %arg10[%mul3A_81] : memref<10000xi32, #tpu.memory_space<vmem>> -> memref<40xi32, #tpu.memory_space<vmem>>
      %dma_start3A_86 = arith.constant 0 : i32
      %dma_start3A_87 = arith.constant 0 : i32
      %dma_start3A_88 = tpu.memref_slice %arg2[%dma_start3A_86, %dma_start3A_87] : memref<10000x128xf32, #tpu.memory_space<hbm>> -> memref<10000x128xf32, #tpu.memory_space<hbm>>
      tpu.enqueue_indirect_dma source(%dma_start3A_88 : memref<10000x128xf32, #tpu.memory_space<hbm>>) target(%dma_start3A_84 : memref<40x128xf32, #tpu.memory_space<vmem>>) offsets(%dma_start3A_85 : memref<40xi32, #tpu.memory_space<vmem>>) semaphore(%arg14 : memref<!tpu.dma_semaphore, #tpu.memory_space<semaphore_mem>>)
      %add3A_89 = arith.constant 40 : i32
      %add3A_90 = arith.addi %mul3A_81, %add3A_89 : i32
      %dma_start3A_91 = arith.constant 40 : i32
      %dma_start3A_92 = arith.constant 0 : i32
      %dma_start3A_93 = tpu.memref_slice %arg12[%dma_start3A_91, %dma_start3A_92] : memref<80x128xf32, #tpu.memory_space<vmem>> -> memref<40x128xf32, #tpu.memory_space<vmem>>
      %dma_start3A_94 = tpu.memref_slice %arg10[%add3A_90] : memref<10000xi32, #tpu.memory_space<vmem>> -> memref<40xi32, #tpu.memory_space<vmem>>
      %dma_start3A_95 = arith.constant 0 : i32
      %dma_start3A_96 = arith.constant 0 : i32
      %dma_start3A_97 = tpu.memref_slice %arg2[%dma_start3A_95, %dma_start3A_96] : memref<10000x128xf32, #tpu.memory_space<hbm>> -> memref<10000x128xf32, #tpu.memory_space<hbm>>
      tpu.enqueue_indirect_dma source(%dma_start3A_97 : memref<10000x128xf32, #tpu.memory_space<hbm>>) target(%dma_start3A_93 : memref<40x128xf32, #tpu.memory_space<vmem>>) offsets(%dma_start3A_94 : memref<40xi32, #tpu.memory_space<vmem>>) semaphore(%arg14 : memref<!tpu.dma_semaphore, #tpu.memory_space<semaphore_mem>>)
      %dma_wait3A_98 = arith.constant 0 : i32
      %dma_wait3A_99 = arith.constant 0 : i32
      %dma_wait3A_100 = tpu.memref_slice %arg11[%dma_wait3A_98, %dma_wait3A_99] : memref<80x128xf32, #tpu.memory_space<vmem>> -> memref<40x128xf32, #tpu.memory_space<vmem>>
      %dma_wait3A_101 = arith.constant 0 : i32
      %dma_wait3A_102 = tpu.memref_slice %arg10[%dma_wait3A_101] : memref<10000xi32, #tpu.memory_space<vmem>> -> memref<40xi32, #tpu.memory_space<vmem>>
      %dma_wait3A_103 = arith.constant 0 : i32
      %dma_wait3A_104 = arith.constant 0 : i32
      %dma_wait3A_105 = tpu.memref_slice %arg2[%dma_wait3A_103, %dma_wait3A_104] : memref<10000x128xf32, #tpu.memory_space<hbm>> -> memref<10000x128xf32, #tpu.memory_space<hbm>>
      tpu.wait_indirect_dma semaphore(%arg13 : memref<!tpu.dma_semaphore, #tpu.memory_space<semaphore_mem>>) src(%dma_wait3A_105 : memref<10000x128xf32, #tpu.memory_space<hbm>>) dst(%dma_wait3A_100 : memref<40x128xf32, #tpu.memory_space<vmem>>)
      %dma_wait3A_106 = arith.constant 40 : i32
      %dma_wait3A_107 = arith.constant 0 : i32
      %dma_wait3A_108 = tpu.memref_slice %arg11[%dma_wait3A_106, %dma_wait3A_107] : memref<80x128xf32, #tpu.memory_space<vmem>> -> memref<40x128xf32, #tpu.memory_space<vmem>>
      %dma_wait3A_109 = arith.constant 0 : i32
      %dma_wait3A_110 = tpu.memref_slice %arg10[%dma_wait3A_109] : memref<10000xi32, #tpu.memory_space<vmem>> -> memref<40xi32, #tpu.memory_space<vmem>>
      %dma_wait3A_111 = arith.constant 0 : i32
      %dma_wait3A_112 = arith.constant 0 : i32
      %dma_wait3A_113 = tpu.memref_slice %arg2[%dma_wait3A_111, %dma_wait3A_112] : memref<10000x128xf32, #tpu.memory_space<hbm>> -> memref<10000x128xf32, #tpu.memory_space<hbm>>
      tpu.wait_indirect_dma semaphore(%arg13 : memref<!tpu.dma_semaphore, #tpu.memory_space<semaphore_mem>>) src(%dma_wait3A_113 : memref<10000x128xf32, #tpu.memory_space<hbm>>) dst(%dma_wait3A_108 : memref<40x128xf32, #tpu.memory_space<vmem>>)
      %dma_start3A_114 = arith.constant 0 : i32
      %dma_start3A_115 = tpu.memref_slice %arg9[%add3A_73, %dma_start3A_114] : memref<125x80xi32, #tpu.memory_space<vmem>> -> memref<1x80xi32, #tpu.memory_space<vmem>>
      %dma_start3A_116 = tpu.memref_squeeze %dma_start3A_115 : memref<1x80xi32, #tpu.memory_space<vmem>> -> memref<80xi32, #tpu.memory_space<vmem>>
      %dma_start3A_117 = arith.constant 0 : i32
      %dma_start3A_118 = arith.constant 0 : i32
      %dma_start3A_119 = tpu.memref_slice %arg8[%dma_start3A_117, %dma_start3A_118] : memref<10000x128xf32, #tpu.memory_space<vmem_shared>> -> memref<10000x128xf32, #tpu.memory_space<vmem_shared>>
      tpu.enqueue_indirect_dma source(%arg11 : memref<80x128xf32, #tpu.memory_space<vmem>>) target(%dma_start3A_119 : memref<10000x128xf32, #tpu.memory_space<vmem_shared>>) offsets(%dma_start3A_116 : memref<80xi32, #tpu.memory_space<vmem>>) semaphore(%arg15 : memref<!tpu.dma_semaphore, #tpu.memory_space<semaphore_mem>>) {add = true}
      %dma_wait3A_120 = arith.constant 0 : i32
      %dma_wait3A_121 = arith.constant 0 : i32
      %dma_wait3A_122 = tpu.memref_slice %arg9[%dma_wait3A_120, %dma_wait3A_121] : memref<125x80xi32, #tpu.memory_space<vmem>> -> memref<1x80xi32, #tpu.memory_space<vmem>>
      %dma_wait3A_123 = tpu.memref_squeeze %dma_wait3A_122 : memref<1x80xi32, #tpu.memory_space<vmem>> -> memref<80xi32, #tpu.memory_space<vmem>>
      %dma_wait3A_124 = arith.constant 0 : i32
      %dma_wait3A_125 = arith.constant 0 : i32
      %dma_wait3A_126 = tpu.memref_slice %arg8[%dma_wait3A_124, %dma_wait3A_125] : memref<10000x128xf32, #tpu.memory_space<vmem_shared>> -> memref<10000x128xf32, #tpu.memory_space<vmem_shared>>
      tpu.wait_indirect_dma semaphore(%arg15 : memref<!tpu.dma_semaphore, #tpu.memory_space<semaphore_mem>>) src(%arg11 : memref<80x128xf32, #tpu.memory_space<vmem>>) dst(%dma_wait3A_126 : memref<10000x128xf32, #tpu.memory_space<vmem_shared>>)
      %add3A_127 = arith.constant 2 : i32
      %add3A_128 = arith.addi %add3A_73, %add3A_127 : i32
      %mul3A_129 = arith.constant 80 : i32
      %mul3A_130 = arith.muli %add3A_128, %mul3A_129 : i32
      %dma_start3A_131 = arith.constant 0 : i32
      %dma_start3A_132 = arith.constant 0 : i32
      %dma_start3A_133 = tpu.memref_slice %arg11[%dma_start3A_131, %dma_start3A_132] : memref<80x128xf32, #tpu.memory_space<vmem>> -> memref<40x128xf32, #tpu.memory_space<vmem>>
      %dma_start3A_134 = tpu.memref_slice %arg10[%mul3A_130] : memref<10000xi32, #tpu.memory_space<vmem>> -> memref<40xi32, #tpu.memory_space<vmem>>
      %dma_start3A_135 = arith.constant 0 : i32
      %dma_start3A_136 = arith.constant 0 : i32
      %dma_start3A_137 = tpu.memref_slice %arg2[%dma_start3A_135, %dma_start3A_136] : memref<10000x128xf32, #tpu.memory_space<hbm>> -> memref<10000x128xf32, #tpu.memory_space<hbm>>
      tpu.enqueue_indirect_dma source(%dma_start3A_137 : memref<10000x128xf32, #tpu.memory_space<hbm>>) target(%dma_start3A_133 : memref<40x128xf32, #tpu.memory_space<vmem>>) offsets(%dma_start3A_134 : memref<40xi32, #tpu.memory_space<vmem>>) semaphore(%arg13 : memref<!tpu.dma_semaphore, #tpu.memory_space<semaphore_mem>>)
      %add3A_138 = arith.constant 40 : i32
      %add3A_139 = arith.addi %mul3A_130, %add3A_138 : i32
      %dma_start3A_140 = arith.constant 40 : i32
      %dma_start3A_141 = arith.constant 0 : i32
      %dma_start3A_142 = tpu.memref_slice %arg11[%dma_start3A_140, %dma_start3A_141] : memref<80x128xf32, #tpu.memory_space<vmem>> -> memref<40x128xf32, #tpu.memory_space<vmem>>
      %dma_start3A_143 = tpu.memref_slice %arg10[%add3A_139] : memref<10000xi32, #tpu.memory_space<vmem>> -> memref<40xi32, #tpu.memory_space<vmem>>
      %dma_start3A_144 = arith.constant 0 : i32
      %dma_start3A_145 = arith.constant 0 : i32
      %dma_start3A_146 = tpu.memref_slice %arg2[%dma_start3A_144, %dma_start3A_145] : memref<10000x128xf32, #tpu.memory_space<hbm>> -> memref<10000x128xf32, #tpu.memory_space<hbm>>
      tpu.enqueue_indirect_dma source(%dma_start3A_146 : memref<10000x128xf32, #tpu.memory_space<hbm>>) target(%dma_start3A_142 : memref<40x128xf32, #tpu.memory_space<vmem>>) offsets(%dma_start3A_143 : memref<40xi32, #tpu.memory_space<vmem>>) semaphore(%arg13 : memref<!tpu.dma_semaphore, #tpu.memory_space<semaphore_mem>>)
      %dma_wait3A_147 = arith.constant 0 : i32
      %dma_wait3A_148 = arith.constant 0 : i32
      %dma_wait3A_149 = tpu.memref_slice %arg12[%dma_wait3A_147, %dma_wait3A_148] : memref<80x128xf32, #tpu.memory_space<vmem>> -> memref<40x128xf32, #tpu.memory_space<vmem>>
      %dma_wait3A_150 = arith.constant 0 : i32
      %dma_wait3A_151 = tpu.memref_slice %arg10[%dma_wait3A_150] : memref<10000xi32, #tpu.memory_space<vmem>> -> memref<40xi32, #tpu.memory_space<vmem>>
      %dma_wait3A_152 = arith.constant 0 : i32
      %dma_wait3A_153 = arith.constant 0 : i32
      %dma_wait3A_154 = tpu.memref_slice %arg2[%dma_wait3A_152, %dma_wait3A_153] : memref<10000x128xf32, #tpu.memory_space<hbm>> -> memref<10000x128xf32, #tpu.memory_space<hbm>>
      tpu.wait_indirect_dma semaphore(%arg14 : memref<!tpu.dma_semaphore, #tpu.memory_space<semaphore_mem>>) src(%dma_wait3A_154 : memref<10000x128xf32, #tpu.memory_space<hbm>>) dst(%dma_wait3A_149 : memref<40x128xf32, #tpu.memory_space<vmem>>)
      %dma_wait3A_155 = arith.constant 40 : i32
      %dma_wait3A_156 = arith.constant 0 : i32
      %dma_wait3A_157 = tpu.memref_slice %arg12[%dma_wait3A_155, %dma_wait3A_156] : memref<80x128xf32, #tpu.memory_space<vmem>> -> memref<40x128xf32, #tpu.memory_space<vmem>>
      %dma_wait3A_158 = arith.constant 0 : i32
      %dma_wait3A_159 = tpu.memref_slice %arg10[%dma_wait3A_158] : memref<10000xi32, #tpu.memory_space<vmem>> -> memref<40xi32, #tpu.memory_space<vmem>>
      %dma_wait3A_160 = arith.constant 0 : i32
      %dma_wait3A_161 = arith.constant 0 : i32
      %dma_wait3A_162 = tpu.memref_slice %arg2[%dma_wait3A_160, %dma_wait3A_161] : memref<10000x128xf32, #tpu.memory_space<hbm>> -> memref<10000x128xf32, #tpu.memory_space<hbm>>
      tpu.wait_indirect_dma semaphore(%arg14 : memref<!tpu.dma_semaphore, #tpu.memory_space<semaphore_mem>>) src(%dma_wait3A_162 : memref<10000x128xf32, #tpu.memory_space<hbm>>) dst(%dma_wait3A_157 : memref<40x128xf32, #tpu.memory_space<vmem>>)
      %add3A_163 = arith.constant 1 : i32
      %add3A_164 = arith.addi %add3A_73, %add3A_163 : i32
      %dma_start3A_165 = arith.constant 0 : i32
      %dma_start3A_166 = tpu.memref_slice %arg9[%add3A_164, %dma_start3A_165] : memref<125x80xi32, #tpu.memory_space<vmem>> -> memref<1x80xi32, #tpu.memory_space<vmem>>
      %dma_start3A_167 = tpu.memref_squeeze %dma_start3A_166 : memref<1x80xi32, #tpu.memory_space<vmem>> -> memref<80xi32, #tpu.memory_space<vmem>>
      %dma_start3A_168 = arith.constant 0 : i32
      %dma_start3A_169 = arith.constant 0 : i32
      %dma_start3A_170 = tpu.memref_slice %arg8[%dma_start3A_168, %dma_start3A_169] : memref<10000x128xf32, #tpu.memory_space<vmem_shared>> -> memref<10000x128xf32, #tpu.memory_space<vmem_shared>>
      tpu.enqueue_indirect_dma source(%arg12 : memref<80x128xf32, #tpu.memory_space<vmem>>) target(%dma_start3A_170 : memref<10000x128xf32, #tpu.memory_space<vmem_shared>>) offsets(%dma_start3A_167 : memref<80xi32, #tpu.memory_space<vmem>>) semaphore(%arg16 : memref<!tpu.dma_semaphore, #tpu.memory_space<semaphore_mem>>) {add = true}
    }
    %scan3A_26 = arith.constant 62 : i32
    %dma_wait3A = arith.constant 0 : i32
    %dma_wait3A_27 = arith.constant 0 : i32
    %dma_wait3A_28 = tpu.memref_slice %arg11[%dma_wait3A, %dma_wait3A_27] : memref<80x128xf32, #tpu.memory_space<vmem>> -> memref<40x128xf32, #tpu.memory_space<vmem>>
    %dma_wait3A_29 = arith.constant 0 : i32
    %dma_wait3A_30 = tpu.memref_slice %arg10[%dma_wait3A_29] : memref<10000xi32, #tpu.memory_space<vmem>> -> memref<40xi32, #tpu.memory_space<vmem>>
    %dma_wait3A_31 = arith.constant 0 : i32
    %dma_wait3A_32 = arith.constant 0 : i32
    %dma_wait3A_33 = tpu.memref_slice %arg2[%dma_wait3A_31, %dma_wait3A_32] : memref<10000x128xf32, #tpu.memory_space<hbm>> -> memref<10000x128xf32, #tpu.memory_space<hbm>>
    tpu.wait_indirect_dma semaphore(%arg13 : memref<!tpu.dma_semaphore, #tpu.memory_space<semaphore_mem>>) src(%dma_wait3A_33 : memref<10000x128xf32, #tpu.memory_space<hbm>>) dst(%dma_wait3A_28 : memref<40x128xf32, #tpu.memory_space<vmem>>)
    %dma_wait3A_34 = arith.constant 40 : i32
    %dma_wait3A_35 = arith.constant 0 : i32
    %dma_wait3A_36 = tpu.memref_slice %arg11[%dma_wait3A_34, %dma_wait3A_35] : memref<80x128xf32, #tpu.memory_space<vmem>> -> memref<40x128xf32, #tpu.memory_space<vmem>>
    %dma_wait3A_37 = arith.constant 0 : i32
    %dma_wait3A_38 = tpu.memref_slice %arg10[%dma_wait3A_37] : memref<10000xi32, #tpu.memory_space<vmem>> -> memref<40xi32, #tpu.memory_space<vmem>>
    %dma_wait3A_39 = arith.constant 0 : i32
    %dma_wait3A_40 = arith.constant 0 : i32
    %dma_wait3A_41 = tpu.memref_slice %arg2[%dma_wait3A_39, %dma_wait3A_40] : memref<10000x128xf32, #tpu.memory_space<hbm>> -> memref<10000x128xf32, #tpu.memory_space<hbm>>
    tpu.wait_indirect_dma semaphore(%arg13 : memref<!tpu.dma_semaphore, #tpu.memory_space<semaphore_mem>>) src(%dma_wait3A_41 : memref<10000x128xf32, #tpu.memory_space<hbm>>) dst(%dma_wait3A_36 : memref<40x128xf32, #tpu.memory_space<vmem>>)
    %dma_start3A_42 = arith.constant 124 : i32
    %dma_start3A_43 = arith.constant 0 : i32
    %dma_start3A_44 = tpu.memref_slice %arg9[%dma_start3A_42, %dma_start3A_43] : memref<125x80xi32, #tpu.memory_space<vmem>> -> memref<1x80xi32, #tpu.memory_space<vmem>>
    %dma_start3A_45 = tpu.memref_squeeze %dma_start3A_44 : memref<1x80xi32, #tpu.memory_space<vmem>> -> memref<80xi32, #tpu.memory_space<vmem>>
    %dma_start3A_46 = arith.constant 0 : i32
    %dma_start3A_47 = arith.constant 0 : i32
    %dma_start3A_48 = tpu.memref_slice %arg8[%dma_start3A_46, %dma_start3A_47] : memref<10000x128xf32, #tpu.memory_space<vmem_shared>> -> memref<10000x128xf32, #tpu.memory_space<vmem_shared>>
    tpu.enqueue_indirect_dma source(%arg11 : memref<80x128xf32, #tpu.memory_space<vmem>>) target(%dma_start3A_48 : memref<10000x128xf32, #tpu.memory_space<vmem_shared>>) offsets(%dma_start3A_45 : memref<80xi32, #tpu.memory_space<vmem>>) semaphore(%arg15 : memref<!tpu.dma_semaphore, #tpu.memory_space<semaphore_mem>>) {add = true}
    %dma_wait3A_49 = arith.constant 0 : i32
    %dma_wait3A_50 = arith.constant 0 : i32
    %dma_wait3A_51 = tpu.memref_slice %arg9[%dma_wait3A_49, %dma_wait3A_50] : memref<125x80xi32, #tpu.memory_space<vmem>> -> memref<1x80xi32, #tpu.memory_space<vmem>>
    %dma_wait3A_52 = tpu.memref_squeeze %dma_wait3A_51 : memref<1x80xi32, #tpu.memory_space<vmem>> -> memref<80xi32, #tpu.memory_space<vmem>>
    %dma_wait3A_53 = arith.constant 0 : i32
    %dma_wait3A_54 = arith.constant 0 : i32
    %dma_wait3A_55 = tpu.memref_slice %arg8[%dma_wait3A_53, %dma_wait3A_54] : memref<10000x128xf32, #tpu.memory_space<vmem_shared>> -> memref<10000x128xf32, #tpu.memory_space<vmem_shared>>
    tpu.wait_indirect_dma semaphore(%arg16 : memref<!tpu.dma_semaphore, #tpu.memory_space<semaphore_mem>>) src(%arg12 : memref<80x128xf32, #tpu.memory_space<vmem>>) dst(%dma_wait3A_55 : memref<10000x128xf32, #tpu.memory_space<vmem_shared>>)
    %dma_wait3A_56 = arith.constant 0 : i32
    %dma_wait3A_57 = arith.constant 0 : i32
    %dma_wait3A_58 = tpu.memref_slice %arg9[%dma_wait3A_56, %dma_wait3A_57] : memref<125x80xi32, #tpu.memory_space<vmem>> -> memref<1x80xi32, #tpu.memory_space<vmem>>
    %dma_wait3A_59 = tpu.memref_squeeze %dma_wait3A_58 : memref<1x80xi32, #tpu.memory_space<vmem>> -> memref<80xi32, #tpu.memory_space<vmem>>
    %dma_wait3A_60 = arith.constant 0 : i32
    %dma_wait3A_61 = arith.constant 0 : i32
    %dma_wait3A_62 = tpu.memref_slice %arg8[%dma_wait3A_60, %dma_wait3A_61] : memref<10000x128xf32, #tpu.memory_space<vmem_shared>> -> memref<10000x128xf32, #tpu.memory_space<vmem_shared>>
    tpu.wait_indirect_dma semaphore(%arg15 : memref<!tpu.dma_semaphore, #tpu.memory_space<semaphore_mem>>) src(%arg11 : memref<80x128xf32, #tpu.memory_space<vmem>>) dst(%dma_wait3A_62 : memref<10000x128xf32, #tpu.memory_space<vmem_shared>>)
    %barrier3A_63 = arith.constant 0 : index
    tpu.barrier barrier_id(%barrier3A_63)
    %lt3A_64 = arith.constant 10 : i32
    %lt3A_65 = arith.cmpi slt, %arg1, %lt3A_64 : i32
    %convert_element_type3A_66 = arith.extui %lt3A_65 : i1 to i32
    %cond3A_67 = arith.constant 0 : i32
    %cond3A_68 = arith.cmpi ne, %convert_element_type3A_66, %cond3A_67 : i32
    scf.if %cond3A_68 {
      %mul3A_69 = arith.constant 1000 : i32
      %mul3A_70 = arith.muli %arg1, %mul3A_69 : i32
      %eq3A = arith.constant 0 : i32
      %eq3A_71 = arith.cmpi eq, %arg0, %eq3A : i32
      %convert_element_type3A_72 = arith.extui %eq3A_71 : i1 to i32
      %cond3A_73 = arith.constant 0 : i32
      %cond3A_74 = arith.cmpi ne, %convert_element_type3A_72, %cond3A_73 : i32
      scf.if %cond3A_74 {
        %dma_start3A_79 = arith.constant 0 : i32
        %dma_start3A_80 = tpu.memref_slice %arg6[%mul3A_70, %dma_start3A_79] : memref<10000x128xf32, #tpu.memory_space<hbm>> -> memref<1000x128xf32, #tpu.memory_space<hbm>>
        %dma_start3A_81 = arith.constant 0 : i32
        %dma_start3A_82 = tpu.memref_slice %arg8[%mul3A_70, %dma_start3A_81] : memref<10000x128xf32, #tpu.memory_space<vmem_shared>> -> memref<1000x128xf32, #tpu.memory_space<vmem_shared>>
        tpu.enqueue_dma source(%dma_start3A_82 : memref<1000x128xf32, #tpu.memory_space<vmem_shared>>) target(%dma_start3A_80 : memref<1000x128xf32, #tpu.memory_space<hbm>>) target_semaphore(%arg13 : memref<!tpu.dma_semaphore, #tpu.memory_space<semaphore_mem>>)
        %dma_wait3A_83 = arith.constant 0 : i32
        %dma_wait3A_84 = tpu.memref_slice %arg6[%mul3A_70, %dma_wait3A_83] : memref<10000x128xf32, #tpu.memory_space<hbm>> -> memref<1000x128xf32, #tpu.memory_space<hbm>>
        %dma_wait3A_85 = arith.constant 0 : i32
        %dma_wait3A_86 = tpu.memref_slice %arg8[%mul3A_70, %dma_wait3A_85] : memref<10000x128xf32, #tpu.memory_space<vmem_shared>> -> memref<1000x128xf32, #tpu.memory_space<vmem_shared>>
        tpu.wait_dma2 semaphore(%arg13 : memref<!tpu.dma_semaphore, #tpu.memory_space<semaphore_mem>>) src(%dma_wait3A_86 : memref<1000x128xf32, #tpu.memory_space<vmem_shared>>) dst(%dma_wait3A_84 : memref<1000x128xf32, #tpu.memory_space<hbm>>)
      } else {
      }
      %ne3A = arith.constant 0 : i32
      %ne3A_75 = arith.cmpi ne, %arg0, %ne3A : i32
      %convert_element_type3A_76 = arith.extui %ne3A_75 : i1 to i32
      %cond3A_77 = arith.constant 0 : i32
      %cond3A_78 = arith.cmpi ne, %convert_element_type3A_76, %cond3A_77 : i32
      scf.if %cond3A_78 {
        %dma_start3A_79 = arith.constant 0 : i32
        %dma_start3A_80 = tpu.memref_slice %arg7[%mul3A_70, %dma_start3A_79] : memref<10000x128xf32, #tpu.memory_space<hbm>> -> memref<1000x128xf32, #tpu.memory_space<hbm>>
        %dma_start3A_81 = arith.constant 0 : i32
        %dma_start3A_82 = tpu.memref_slice %arg8[%mul3A_70, %dma_start3A_81] : memref<10000x128xf32, #tpu.memory_space<vmem_shared>> -> memref<1000x128xf32, #tpu.memory_space<vmem_shared>>
        tpu.enqueue_dma source(%dma_start3A_82 : memref<1000x128xf32, #tpu.memory_space<vmem_shared>>) target(%dma_start3A_80 : memref<1000x128xf32, #tpu.memory_space<hbm>>) target_semaphore(%arg13 : memref<!tpu.dma_semaphore, #tpu.memory_space<semaphore_mem>>)
        %dma_wait3A_83 = arith.constant 0 : i32
        %dma_wait3A_84 = tpu.memref_slice %arg7[%mul3A_70, %dma_wait3A_83] : memref<10000x128xf32, #tpu.memory_space<hbm>> -> memref<1000x128xf32, #tpu.memory_space<hbm>>
        %dma_wait3A_85 = arith.constant 0 : i32
        %dma_wait3A_86 = tpu.memref_slice %arg8[%mul3A_70, %dma_wait3A_85] : memref<10000x128xf32, #tpu.memory_space<vmem_shared>> -> memref<1000x128xf32, #tpu.memory_space<vmem_shared>>
        tpu.wait_dma2 semaphore(%arg13 : memref<!tpu.dma_semaphore, #tpu.memory_space<semaphore_mem>>) src(%dma_wait3A_86 : memref<1000x128xf32, #tpu.memory_space<vmem_shared>>) dst(%dma_wait3A_84 : memref<1000x128xf32, #tpu.memory_space<hbm>>)
      } else {
      }
    } else {
    }
    return
  }
}

module attributes {stable_mosaic.version = 14 : i64} {
  func.func @_mlp_body(%arg0: memref<10000x128xf32, #tpu.memory_space<vmem>>, %arg1: memref<10000x128xf32, #tpu.memory_space<vmem>>, %arg2: memref<128x128xf32, #tpu.memory_space<vmem>>, %arg3: memref<1x128xf32, #tpu.memory_space<vmem>>, %arg4: memref<1x128xf32, #tpu.memory_space<vmem>>, %arg5: memref<1x128xf32, #tpu.memory_space<vmem>>, %arg6: memref<128x128xf32, #tpu.memory_space<vmem>>, %arg7: memref<1x128xf32, #tpu.memory_space<vmem>>, %arg8: memref<10000x128xf32, #tpu.memory_space<vmem>>) attributes {dimension_semantics = [], scalar_prefetch = 0 : i64, scratch_operands = 0 : i64, tpu.core_type = #tpu.core_type<tc>} {
    %get3A = arith.constant 0 : index
    %get3A_0 = arith.constant 0 : index
    %get3A_1 = vector.load %arg0[%get3A, %get3A_0] : memref<10000x128xf32, #tpu.memory_space<vmem>>, vector<10000x128xf32>
    %get3A_2 = arith.constant 0 : index
    %get3A_3 = arith.constant 0 : index
    %get3A_4 = vector.load %arg1[%get3A_2, %get3A_3] : memref<10000x128xf32, #tpu.memory_space<vmem>>, vector<10000x128xf32>
    %add3A = arith.addf %get3A_1, %get3A_4 : vector<10000x128xf32>
    %get3A_5 = arith.constant 0 : index
    %get3A_6 = arith.constant 0 : index
    %get3A_7 = vector.load %arg2[%get3A_5, %get3A_6] : memref<128x128xf32, #tpu.memory_space<vmem>>, vector<128x128xf32>
    %dot_general3A = arith.constant dense<0.000000e+00> : vector<10000x128xf32>
    %dot_general3A_8 = tpu.matmul %add3A, %get3A_7, %dot_general3A {dimension_numbers = #tpu.dot_dimension_numbers<[1], [0], [0], [1], [0, 0, 1, 1], [], []>, transpose_lhs_hint = false} : vector<10000x128xf32>, vector<128x128xf32>, vector<10000x128xf32> -> vector<10000x128xf32>
    %get3A_9 = arith.constant 0 : index
    %get3A_10 = arith.constant 0 : index
    %get3A_11 = vector.load %arg3[%get3A_9, %get3A_10] : memref<1x128xf32, #tpu.memory_space<vmem>>, vector<1x128xf32>
    %add3A_12 = vector.broadcast %get3A_11 : vector<1x128xf32> to vector<10000x128xf32>
    %add3A_13 = arith.addf %dot_general3A_8, %add3A_12 : vector<10000x128xf32>
    %reduce_sum3A = arith.constant dense<0.000000e+00> : vector<128xf32>
    %reduce_sum3A_14 = vector.multi_reduction <add>, %add3A_13, %reduce_sum3A [0] : vector<10000x128xf32> to vector<128xf32>
    %broadcast_in_dim3A = vector.shape_cast %reduce_sum3A_14 : vector<128xf32> to vector<1x128xf32>
    %div3A = arith.constant 1.000000e+04 : f32
    %div3A_15 = vector.broadcast %div3A : f32 to vector<1x128xf32>
    %div3A_16 = arith.divf %broadcast_in_dim3A, %div3A_15 : vector<1x128xf32>
    %sub3A = vector.broadcast %div3A_16 : vector<1x128xf32> to vector<10000x128xf32>
    %sub3A_17 = arith.subf %add3A_13, %sub3A : vector<10000x128xf32>
    %mul3A = arith.mulf %sub3A_17, %sub3A_17 : vector<10000x128xf32>
    %reduce_sum3A_18 = arith.constant dense<0.000000e+00> : vector<128xf32>
    %reduce_sum3A_19 = vector.multi_reduction <add>, %mul3A, %reduce_sum3A_18 [0] : vector<10000x128xf32> to vector<128xf32>
    %broadcast_in_dim3A_20 = vector.shape_cast %reduce_sum3A_19 : vector<128xf32> to vector<1x128xf32>
    %div3A_21 = arith.constant 1.000000e+04 : f32
    %div3A_22 = vector.broadcast %div3A_21 : f32 to vector<1x128xf32>
    %div3A_23 = arith.divf %broadcast_in_dim3A_20, %div3A_22 : vector<1x128xf32>
    %get3A_24 = arith.constant 0 : index
    %get3A_25 = arith.constant 0 : index
    %get3A_26 = vector.load %arg4[%get3A_24, %get3A_25] : memref<1x128xf32, #tpu.memory_space<vmem>>, vector<1x128xf32>
    %add3A_27 = arith.constant 9.99999974E-6 : f32
    %add3A_28 = vector.broadcast %add3A_27 : f32 to vector<1x128xf32>
    %add3A_29 = arith.addf %div3A_23, %add3A_28 : vector<1x128xf32>
    %rsqrt3A = math.rsqrt %add3A_29 : vector<1x128xf32>
    %mul3A_30 = arith.mulf %get3A_26, %rsqrt3A : vector<1x128xf32>
    %mul3A_31 = vector.broadcast %mul3A_30 : vector<1x128xf32> to vector<10000x128xf32>
    %mul3A_32 = arith.mulf %sub3A_17, %mul3A_31 : vector<10000x128xf32>
    %get3A_33 = arith.constant 0 : index
    %get3A_34 = arith.constant 0 : index
    %get3A_35 = vector.load %arg5[%get3A_33, %get3A_34] : memref<1x128xf32, #tpu.memory_space<vmem>>, vector<1x128xf32>
    %add3A_36 = vector.broadcast %get3A_35 : vector<1x128xf32> to vector<10000x128xf32>
    %add3A_37 = arith.addf %mul3A_32, %add3A_36 : vector<10000x128xf32>
    %max3A = arith.constant 0.000000e+00 : f32
    %max3A_38 = vector.broadcast %max3A : f32 to vector<10000x128xf32>
    %max3A_39 = arith.maximumf %add3A_37, %max3A_38 : vector<10000x128xf32>
    %get3A_40 = arith.constant 0 : index
    %get3A_41 = arith.constant 0 : index
    %get3A_42 = vector.load %arg6[%get3A_40, %get3A_41] : memref<128x128xf32, #tpu.memory_space<vmem>>, vector<128x128xf32>
    %dot_general3A_43 = arith.constant dense<0.000000e+00> : vector<10000x128xf32>
    %dot_general3A_44 = tpu.matmul %max3A_39, %get3A_42, %dot_general3A_43 {dimension_numbers = #tpu.dot_dimension_numbers<[1], [0], [0], [1], [0, 0, 1, 1], [], []>, transpose_lhs_hint = false} : vector<10000x128xf32>, vector<128x128xf32>, vector<10000x128xf32> -> vector<10000x128xf32>
    %get3A_45 = arith.constant 0 : index
    %get3A_46 = arith.constant 0 : index
    %get3A_47 = vector.load %arg7[%get3A_45, %get3A_46] : memref<1x128xf32, #tpu.memory_space<vmem>>, vector<1x128xf32>
    %add3A_48 = vector.broadcast %get3A_47 : vector<1x128xf32> to vector<10000x128xf32>
    %add3A_49 = arith.addf %dot_general3A_44, %add3A_48 : vector<10000x128xf32>
    %max3A_50 = arith.constant 0.000000e+00 : f32
    %max3A_51 = vector.broadcast %max3A_50 : f32 to vector<10000x128xf32>
    %max3A_52 = arith.maximumf %add3A_49, %max3A_51 : vector<10000x128xf32>
    %swap3A = arith.constant 0 : index
    %swap3A_53 = arith.constant 0 : index
    %swap3A_54 = vector.load %arg8[%swap3A, %swap3A_53] : memref<10000x128xf32, #tpu.memory_space<vmem>>, vector<10000x128xf32>
    tpu.vector_store %arg8[%swap3A, %swap3A_53], %max3A_52 {strides = array<i32>} : memref<10000x128xf32, #tpu.memory_space<vmem>>, vector<10000x128xf32>,
    return
  }
}

module attributes {stable_mosaic.version = 14 : i64} {
  func.func @_mlp_body(%arg0: memref<10000x128xf32, #tpu.memory_space<vmem>>, %arg1: memref<10000x128xf32, #tpu.memory_space<vmem>>, %arg2: memref<128x128xf32, #tpu.memory_space<vmem>>, %arg3: memref<1x128xf32, #tpu.memory_space<vmem>>, %arg4: memref<1x128xf32, #tpu.memory_space<vmem>>, %arg5: memref<1x128xf32, #tpu.memory_space<vmem>>, %arg6: memref<128x128xf32, #tpu.memory_space<vmem>>, %arg7: memref<1x128xf32, #tpu.memory_space<vmem>>, %arg8: memref<10000x128xf32, #tpu.memory_space<vmem>>) attributes {dimension_semantics = [], scalar_prefetch = 0 : i64, scratch_operands = 0 : i64, tpu.core_type = #tpu.core_type<tc>} {
    %get3A = arith.constant 0 : index
    %get3A_0 = arith.constant 0 : index
    %get3A_1 = vector.load %arg0[%get3A, %get3A_0] : memref<10000x128xf32, #tpu.memory_space<vmem>>, vector<10000x128xf32>
    %get3A_2 = arith.constant 0 : index
    %get3A_3 = arith.constant 0 : index
    %get3A_4 = vector.load %arg1[%get3A_2, %get3A_3] : memref<10000x128xf32, #tpu.memory_space<vmem>>, vector<10000x128xf32>
    %add3A = arith.addf %get3A_1, %get3A_4 : vector<10000x128xf32>
    %get3A_5 = arith.constant 0 : index
    %get3A_6 = arith.constant 0 : index
    %get3A_7 = vector.load %arg2[%get3A_5, %get3A_6] : memref<128x128xf32, #tpu.memory_space<vmem>>, vector<128x128xf32>
    %dot_general3A = arith.constant dense<0.000000e+00> : vector<10000x128xf32>
    %dot_general3A_8 = tpu.matmul %add3A, %get3A_7, %dot_general3A {dimension_numbers = #tpu.dot_dimension_numbers<[1], [0], [0], [1], [0, 0, 1, 1], [], []>, transpose_lhs_hint = false} : vector<10000x128xf32>, vector<128x128xf32>, vector<10000x128xf32> -> vector<10000x128xf32>
    %get3A_9 = arith.constant 0 : index
    %get3A_10 = arith.constant 0 : index
    %get3A_11 = vector.load %arg3[%get3A_9, %get3A_10] : memref<1x128xf32, #tpu.memory_space<vmem>>, vector<1x128xf32>
    %add3A_12 = vector.broadcast %get3A_11 : vector<1x128xf32> to vector<10000x128xf32>
    %add3A_13 = arith.addf %dot_general3A_8, %add3A_12 : vector<10000x128xf32>
    %reduce_sum3A = arith.constant dense<0.000000e+00> : vector<128xf32>
    %reduce_sum3A_14 = vector.multi_reduction <add>, %add3A_13, %reduce_sum3A [0] : vector<10000x128xf32> to vector<128xf32>
    %broadcast_in_dim3A = vector.shape_cast %reduce_sum3A_14 : vector<128xf32> to vector<1x128xf32>
    %div3A = arith.constant 1.000000e+04 : f32
    %div3A_15 = vector.broadcast %div3A : f32 to vector<1x128xf32>
    %div3A_16 = arith.divf %broadcast_in_dim3A, %div3A_15 : vector<1x128xf32>
    %sub3A = vector.broadcast %div3A_16 : vector<1x128xf32> to vector<10000x128xf32>
    %sub3A_17 = arith.subf %add3A_13, %sub3A : vector<10000x128xf32>
    %mul3A = arith.mulf %sub3A_17, %sub3A_17 : vector<10000x128xf32>
    %reduce_sum3A_18 = arith.constant dense<0.000000e+00> : vector<128xf32>
    %reduce_sum3A_19 = vector.multi_reduction <add>, %mul3A, %reduce_sum3A_18 [0] : vector<10000x128xf32> to vector<128xf32>
    %broadcast_in_dim3A_20 = vector.shape_cast %reduce_sum3A_19 : vector<128xf32> to vector<1x128xf32>
    %div3A_21 = arith.constant 1.000000e+04 : f32
    %div3A_22 = vector.broadcast %div3A_21 : f32 to vector<1x128xf32>
    %div3A_23 = arith.divf %broadcast_in_dim3A_20, %div3A_22 : vector<1x128xf32>
    %get3A_24 = arith.constant 0 : index
    %get3A_25 = arith.constant 0 : index
    %get3A_26 = vector.load %arg4[%get3A_24, %get3A_25] : memref<1x128xf32, #tpu.memory_space<vmem>>, vector<1x128xf32>
    %add3A_27 = arith.constant 9.99999974E-6 : f32
    %add3A_28 = vector.broadcast %add3A_27 : f32 to vector<1x128xf32>
    %add3A_29 = arith.addf %div3A_23, %add3A_28 : vector<1x128xf32>
    %rsqrt3A = math.rsqrt %add3A_29 : vector<1x128xf32>
    %mul3A_30 = arith.mulf %get3A_26, %rsqrt3A : vector<1x128xf32>
    %mul3A_31 = vector.broadcast %mul3A_30 : vector<1x128xf32> to vector<10000x128xf32>
    %mul3A_32 = arith.mulf %sub3A_17, %mul3A_31 : vector<10000x128xf32>
    %get3A_33 = arith.constant 0 : index
    %get3A_34 = arith.constant 0 : index
    %get3A_35 = vector.load %arg5[%get3A_33, %get3A_34] : memref<1x128xf32, #tpu.memory_space<vmem>>, vector<1x128xf32>
    %add3A_36 = vector.broadcast %get3A_35 : vector<1x128xf32> to vector<10000x128xf32>
    %add3A_37 = arith.addf %mul3A_32, %add3A_36 : vector<10000x128xf32>
    %max3A = arith.constant 0.000000e+00 : f32
    %max3A_38 = vector.broadcast %max3A : f32 to vector<10000x128xf32>
    %max3A_39 = arith.maximumf %add3A_37, %max3A_38 : vector<10000x128xf32>
    %get3A_40 = arith.constant 0 : index
    %get3A_41 = arith.constant 0 : index
    %get3A_42 = vector.load %arg6[%get3A_40, %get3A_41] : memref<128x128xf32, #tpu.memory_space<vmem>>, vector<128x128xf32>
    %dot_general3A_43 = arith.constant dense<0.000000e+00> : vector<10000x128xf32>
    %dot_general3A_44 = tpu.matmul %max3A_39, %get3A_42, %dot_general3A_43 {dimension_numbers = #tpu.dot_dimension_numbers<[1], [0], [0], [1], [0, 0, 1, 1], [], []>, transpose_lhs_hint = false} : vector<10000x128xf32>, vector<128x128xf32>, vector<10000x128xf32> -> vector<10000x128xf32>
    %get3A_45 = arith.constant 0 : index
    %get3A_46 = arith.constant 0 : index
    %get3A_47 = vector.load %arg7[%get3A_45, %get3A_46] : memref<1x128xf32, #tpu.memory_space<vmem>>, vector<1x128xf32>
    %add3A_48 = vector.broadcast %get3A_47 : vector<1x128xf32> to vector<10000x128xf32>
    %add3A_49 = arith.addf %dot_general3A_44, %add3A_48 : vector<10000x128xf32>
    %max3A_50 = arith.constant 0.000000e+00 : f32
    %max3A_51 = vector.broadcast %max3A_50 : f32 to vector<10000x128xf32>
    %max3A_52 = arith.maximumf %add3A_49, %max3A_51 : vector<10000x128xf32>
    %swap3A = arith.constant 0 : index
    %swap3A_53 = arith.constant 0 : index
    %swap3A_54 = vector.load %arg8[%swap3A, %swap3A_53] : memref<10000x128xf32, #tpu.memory_space<vmem>>, vector<10000x128xf32>
    tpu.vector_store %arg8[%swap3A, %swap3A_53], %max3A_52 {strides = array<i32>} : memref<10000x128xf32, #tpu.memory_space<vmem>>, vector<10000x128xf32>,
    return
  }
}

</mosaic_0001>

<sc_bundles>
// kernel: kernel.11.cloned.1.call-start
scs
__scs_entry_jumppad:
0x0: {  	(pc) =	sbr.rel $0x88, $3  }
0x1: {  	(tag) =	ssettag $0x0;
	lr =	simm.s32 $0x1  }
0x2: {  	[smem:$0x3F8D] =	sst lr;
	_ =	strace $0xD0000000  }
0x3: {  	_ = 	snop  }
0x4: {  	_ = 	snop  }
0x5: {  	_ = 	snop  }
0x6: {  	_ = 	snop  }
0x7: {  	_ = 	snop  }
__scs_overlays_trampoline_lowered:
0x8: {  	[smem:$0x3F9C] =	sst s0  }
0x9: {  	[smem:$0x3F9D] =	sst s1  }
0xa: {  	[smem:$0x3F9E] =	sst s2  }
0xb: {  	[smem:$0x3F9F] =	sst s3  }
0xc: {  	[smem:$0x3FA0] =	sst s4  }
0xd: {  	[smem:$0x3FA1] =	sst s5  }
0xe: {  	[smem:$0x3FA2] =	sst s6  }
0xf: {  	[smem:$0x3FA3] =	sst s7  }
0x10: {  	[smem:$0x3FA4] =	sst s8  }
0x11: {  	[smem:$0x3FA5] =	sst s9;
	s0 =	simm.s32 @!p0 $0x0  }
0x12: {  	s1 =	sld [smem:$0x3F8B];
	s0 =	simm.s32 @p0 $0x1  }
0x13: {  	[smem:$0x3FA6] =	sst s0;
	s0 =	simm.s32 @!p1 $0x0  }
0x14: {  	s2 =	sld [smem:$0x3F8A];
	s0 =	simm.s32 @p1 $0x1  }
0x15: {  	[smem:$0x3FA7] =	sst s0;
	s0 =	simm.s32 @!p2 $0x0  }
0x16: {  	s3 =	sld [smem:$0x3FDB];
	s0 =	simm.s32 @p2 $0x1  }
0x17: {  	s4 =	simm.s32 $0x1BF5;
	[smem:$0x3FA9] =	sst s0  }
0x18: {  	s0 =	sld [smem:$0x3F8C];
	_ =	swait.ge [sflag:s4], $0x0  }
0x19: {  	s7 =	sld [smem:$0x3F8D]  }
0x1a: {  	s8 =	sadd.s32 $0xFFFFE003, lr  }
0x1b: {  	s9 =	sadd.s32 $0xFFFFFEF7, lr;
	s5 =	simm.s32 $0xFFFFFFFF;
	p2 =	slt.u32 s8, $0xFFFFF086  }
0x1c: {  	p1 =	slt.u32 s9, $0xF7A;
	s5 =	simm.s32 @!p2 $0x0  }
0x1d: {  	s5 =	simm.s32 @p1 $0x1;
	p0 =	seq.s32 s7, s2  }
0x1e: {  	s7 =	smul.u32 @!p0 $0xF7A, s2;
	p2 =	seq.s32 @!p0 s5, $0x0  }
0x1f: {  	s9 =	smul.u32 $0xF7A, s1;
	s8 =	simm.s32 @!p0 $0x1BF5;
	p2 =	por !p2, p0  }
0x20: {  	[sflag:s8] =	ssyncset.s32 @!p0 $0xFFFFF086;
	s6 =	sadd.s32 @!p0 s3, s7;
	s7 =	simm.s32 @!p0 $0x108  }
0x21: {  	s3 =	sadd.s32 s3, s9;
	s6 =	sadd.s32 @!p0 $0x88, s6;
	s7 =	simm.s32 @p2 $0x1082  }
0x22: {  	[simem:s7], [sflag:s8] =	dma.local @!p0 [hbm:s6], $0xF7A  }
0x23: {  	s9 =	sor.u32 $0xD0000000, s2;
	s6 =	simm.s32 $0x108;
	_ =	swait.ge @!p0 [sflag:s8], $0x0  }
0x24: {  	s3 =	sadd.s32 $0x88, s3;
	s6 =	simm.s32 @!p1 $0x1082;
	[sflag:s4] =	ssyncset.s32 $0xFFFFF086  }
0x25: {  	[simem:s6], [sflag:s4] =	dma.local [hbm:s3], $0xF7A  }
0x26: {  	[smem:$0x3F8D] =	sst s1;
	(tag) =	ssettag s2;
	_ =	strace s9  }
0x27: {  	s1 =	sld [smem:$0x3F9D]  }
0x28: {  	s2 =	sld [smem:$0x3F9E]  }
0x29: {  	s4 =	sld [smem:$0x3FA0]  }
0x2a: {  	p0 =	seq.s32 s5, $0x0;
	s5 =	sld [smem:$0x3FA1]  }
0x2b: {  	s6 =	sld [smem:$0x3FA2]  }
0x2c: {  	s7 =	sld [smem:$0x3FA3]  }
0x2d: {  	s3 =	simm.s32 $0x108;
	s8 =	sld [smem:$0x3FA4]  }
0x2e: {  	s3 =	simm.s32 @!p0 $0x1082;
	s9 =	sld [smem:$0x3FA5]  }
0x2f: {  	lr =	sadd.s32 s0, s3;
	s0 =	sld [smem:$0x3F9C]  }
0x30: {  	s3 =	sld [smem:$0x3F9F]  }
0x31: {  	[smem:$0x3FA8] =	sst s10  }
0x32: {  	s10 =	sld [smem:$0x3FA6];
	_ =	sdelay $0x3  }
0x33: {  	p0 =	seq.s32 s10, $0x1;
	s10 =	sld [smem:$0x3FA8];
	_ =	sdelay $0x3  }
0x34: {  	[smem:$0x3FA8] =	sst s10  }
0x35: {  	s10 =	sld [smem:$0x3FA7];
	_ =	sdelay $0x3  }
0x36: {  	p1 =	seq.s32 s10, $0x1;
	s10 =	sld [smem:$0x3FA8];
	_ =	sdelay $0x3  }
0x37: {  	[smem:$0x3FA8] =	sst s10  }
0x38: {  	s10 =	sld [smem:$0x3FA9]  }
0x39: {  	_ = 	snop;
	(pc) =	sbr.ind lr, $3  }
0x3a: {  	_ = 	snop  }
0x3b: {  	_ = 	snop  }
0x3c: {  	p2 =	seq.s32 s10, $0x1;
	s10 =	sld [smem:$0x3FA8]  }
0x3d: {  	_ =	shalt  }
0x3e: {  	_ =	shalt  }
0x3f: {  	_ =	shalt  }
0x40: {  	_ =	shalt  }
0x41: {  	_ =	shalt  }
0x42: {  	_ =	shalt  }
0x43: {  	_ =	shalt  }
0x44: {  	_ =	shalt  }
0x45: {  	_ =	shalt  }
0x46: {  	_ =	shalt  }
0x47: {  	_ =	shalt  }
0x48: {  	_ =	shalt  }
0x49: {  	_ =	shalt  }
0x4a: {  	_ =	shalt  }
0x4b: {  	_ =	shalt  }
0x4c: {  	_ =	shalt  }
0x4d: {  	_ =	shalt  }
0x4e: {  	_ =	shalt  }
0x4f: {  	_ =	shalt  }
0x50: {  	_ =	shalt  }
0x51: {  	_ =	shalt  }
0x52: {  	_ =	shalt  }
0x53: {  	_ =	shalt  }
0x54: {  	_ =	shalt  }
0x55: {  	_ =	shalt  }
0x56: {  	_ =	shalt  }
0x57: {  	_ =	shalt  }
0x58: {  	_ =	shalt  }
0x59: {  	_ =	shalt  }
0x5a: {  	_ =	shalt  }
0x5b: {  	_ =	shalt  }
0x5c: {  	_ =	shalt  }
0x5d: {  	_ =	shalt  }
0x5e: {  	_ =	shalt  }
0x5f: {  	_ =	shalt  }
0x60: {  	_ =	shalt  }
0x61: {  	_ =	shalt  }
0x62: {  	_ =	shalt  }
0x63: {  	_ =	shalt  }
0x64: {  	_ =	shalt  }
0x65: {  	_ =	shalt  }
0x66: {  	_ =	shalt  }
0x67: {  	_ =	shalt  }
0x68: {  	_ =	shalt  }
0x69: {  	_ =	shalt  }
0x6a: {  	_ =	shalt  }
0x6b: {  	_ =	shalt  }
0x6c: {  	_ =	shalt  }
0x6d: {  	_ =	shalt  }
0x6e: {  	_ =	shalt  }
0x6f: {  	_ =	shalt  }
0x70: {  	_ =	shalt  }
0x71: {  	_ =	shalt  }
0x72: {  	_ =	shalt  }
0x73: {  	_ =	shalt  }
0x74: {  	_ =	shalt  }
0x75: {  	_ =	shalt  }
0x76: {  	_ =	shalt  }
0x77: {  	_ =	shalt  }
0x78: {  	_ =	shalt  }
0x79: {  	_ =	shalt  }
0x7a: {  	_ =	shalt  }
0x7b: {  	_ =	shalt  }
0x7c: {  	_ =	shalt  }
0x7d: {  	_ =	shalt  }
0x7e: {  	_ =	shalt  }
0x7f: {  	_ =	shalt  }
0x80: {  	_ =	shalt  }
0x81: {  	_ =	shalt  }
0x82: {  	_ =	shalt  }
0x83: {  	_ =	shalt  }
0x84: {  	_ =	shalt  }
0x85: {  	_ =	shalt  }
0x86: {  	_ =	shalt  }
0x87: {  	_ =	shalt  }
.Lfunc_end0:
.L_simem_size_0:
called_computation.1_lowered:
.L_overlay_start_0:
0x88: {  	s2 =	sld [smem:$0x3FD9]  }
0x89: {  	s3 =	sld [smem:$0x3FFE];
	_ =	sdelay $0x1  }
0x8a: {  	s1 =	srdreg.scid  }
0x8b: {  	s0 =	sand.u32 $0x1, s1  }
0x8c: {  	s17 =	sshll.u32 s0, $0xA;
	s2 =	sadd.s32 s3, s2  }
0x8d: {  	s2 =	sadd.s32 s2, s17  }
0x8e: {  	[smem:$0x3FB4] =	sst s2  }
0x8f: {  	_ = 	snop  }
0x90: {  	s2 =	sld [smem:$0x3FD0];
	(tm) =	ssettm $0x1  }
0x91: {  	s18 =	sld [smem:$0x3FFB];
	_ =	sdelay $0x3  }
0x92: {  	_ =	strace s18  }
0x93: {  	s3 =	sld [smem:$0x3FFC];
	_ =	sdelay $0x3  }
0x94: {  	_ =	strace s3  }
0x95: {  	s3 =	sld [smem:$0x3FFD];
	_ =	sdelay $0x3  }
0x96: {  	_ =	strace s3  }
0x97: {  	_ =	strace $0x8FFFFFFF  }
0x98: {  	s19 =	sld [smem:$0x3FDB];
	_ =	sdelay $0x1  }
0x99: {  	s4 =	simm.s32 $_scs_section_size  }
0x9a: {  	s5 =	simm.s32 $_size__tile_overlayer_lowered;
	s6 =	simm.s32 $_tile_overlayer_lowered  }
0x9b: {  	s22 =	simm.s32 $0x1BFF;
	s21 =	sshll.u32 s6, $0x1;
	s3 =	sadd.s32 s4, s19  }
0x9c: {  	s7 =	simm.s32 $0x0;
	s20 =	sshll.u32 s5, $0x1;
	s5 =	sadd.s32 s21, s3  }
0x9d: {  	[timem:s7], [sflag:s22] =	dma.local [hbm:s5], s20  }
0x9e: {  	_ =	swait.ge [sflag:s22], s20  }
0x9f: {  	s4 =	ssub.s32 $0x0, s20;
	[sflag:s22] =	ssyncset.done $0x0  }
0xa0: {  	[sflag:s22] =	ssyncadd.s32 s4;
	_ =	sdelay $0x1  }
0xa1: {  	s23 =	simm.s32 $0x1B8B  }
0xa2: {  	_ =	swait.ge [sflag:s23], $0x1  }
0xa3: {  	[sflag:s23] =	ssyncset.done $0x0  }
0xa4: {  	s25 =	simm.s32 $0x1B8E;
	s24 =	sld [smem:$0x3FFE];
	[sflag:s23] =	ssyncadd.s32 $0xFFFFFFFF  }
0xa5: {  	s26 =	simm.s32 $execute0_lowered;
	[smem:$0x3FD2] =	sst s25  }
0xa6: {  	s5 =	sshll.u32 s26, $0x1;
	_ =	strace $0x80000049;
	[dreg:$0x1] =	wrdreg $0xFFFFFFFF  }
0xa7: {  	s28 =	simm.s32 $_size_execute0_lowered;
	s3 =	sadd.s32 s3, s5;
	[dreg:$0x0] =	wrdreg $0x0  }
0xa8: {  	s5 =	sshll.u32 s28, $0x1;
	[dreg:$0x2] =	wrdreg s3  }
0xa9: {  	[dreg:$0x3] =	wrdreg s5  }
0xaa: {  	[dreg:$0x4] =	wrdreg $0xC0  }
0xab: {  	_ =	task [dreg:s7], $0x5FFFF  }
0xac: {  	[dreg:$0x1] =	wrdreg $0xFFFFFFFF  }
0xad: {  	[dreg:$0x0] =	wrdreg $0x60  }
0xae: {  	[dreg:$0x2] =	wrdreg s24  }
0xaf: {  	[dreg:$0x3] =	wrdreg s2  }
0xb0: {  	[dreg:$0x4] =	wrdreg $0x0  }
0xb1: {  	[dreg:$0x5] =	wrdreg $0x9  }
0xb2: {  	_ =	task.clear_ibuf [dreg:s7], $0x6FFFF;
	_ =	strace $0x90000049  }
0xb3: {  	s29 =	simm.s32 $0x9;
	_ =	strace $0x8000004B  }
0xb4: {  	_ =	swait.ge [sflag:s29], $0x1  }
0xb5: {  	[sflag:s29] =	ssyncadd.s32 $0xFFFFFFFF  }
0xb6: {  	_ =	strace $0x9000004B  }
0xb7: {  	_ =	sfence  }
0xb8: {  	s30 =	sld [smem:$0x0];
	_ =	sdelay $0x2  }
0xb9: {  	s31 =	sshll.u32 s1, $0xD;
	s1 =	sshrl.u32 s1, $0x2  }
0xba: {  	s3 =	sand.u32 $0x4000, s31;
	s1 =	sadd.s32 s1, s30  }
0xbb: {  	s0 =	sor.u32 s3, s0;
	s1 =	sshll.u32 s1, $0x11  }
0xbc: {  	s0 =	sor.u32 s1, s0  }
0xbd: {  	s0 =	sadd.s32 $0x8F2B, s0  }
0xbe: {  	[sflag:s0] =	ssyncadd.remote.s32 $0x1  }
0xbf: {  	_ =	sfence.sel $0xFFFF  }
0xc0: {  	[dreg:$0x0] =	wrdreg $0xFFFFFFFF;
	(pc) =	sbr.abs _section_cstart, $3  }
0xc1: {  	[dreg:$0x1] =	wrdreg $0xFFFFFFFF  }
0xc2: {  	_ =	task.clear_ibuf [dreg:s7], $0x2FFFF;
	_ =	strace $0x9FFFFFFF  }
0xc3: {  	(tm) =	ssettm $0x7FFFFFFF  }
tec
execute0_lowered:
.L_overlay_start_1:
0x0: {  	(tag) =	ssettag $0x1  }
0x1: {  	s0 =	srdreg.scid  }
0x2: {  	s11 =	stileid.u32;
	s1 =	rddreg [dreg:$0x0]  }
0x3: {  	s3 =	rddreg [dreg:$0x1];
	s7 =	simm.s32 $0x0;
	s12 =	simm.s32 $0x13880  }
0x4: {  	s13 =	simm.s32 $0x5;
	s16 =	simm.s32 $0x17880;
	s17 =	simm.s32 $0x28  }
0x5: {  	s18 =	simm.s32 $0x1A000;
	s20 =	simm.s32 $0x1B400;
	s22 =	simm.s32 $0x1C800  }
0x6: {  	s28 =	simm.s32 $0x3;
	s29 =	simm.s32 $0x17920;
	s30 =	simm.s32 $0x17948  }
0x7: {  	s31 =	simm.s32 $0x2;
	s14 =	simm.s32 $0x0;
	s0 =	sand.u32 $0x1, s0  }
0x8: {  	s2 =	sshll.u32 s11, $0x1;
	s4 =	sshrl.u32 s11, $0x2;
	s8 =	smul.u32 $0x7D000, s11  }
0x9: {  	[smem:$0x7FF] =	sst s7;
	s9 =	sadd.s32 $0x45400, s1;
	s26 =	smul.u32 $0x3E80, s11  }
0xa: {  	s5 =	sor.u32 s0, s2;
	s2 =	rddreg [dreg:$0x2];
	s4 =	smul.u32 $0x13C00, s4  }
0xb: {  	_ =	strace $0x8000004A;
	s24 =	ssub.s32 $0x2, s0;
	p0 =	seq.s32 s0, $0x0  }
0xc: {  	s6 =	sshll.u32 s5, $0x7;
	s5 =	sshll.u32 s5, $0xB;
	s10 =	sshrl.u32 s24, $0x1  }
0xd: {  	s25 =	sshrl.u32 s8, $0x2;
	s6 =	sand.u32 $0x380, s6;
	s5 =	sadd.s32 s5, s1  }
0xe: {  	s7 =	ssub.s32 s24, s10;
	s0 =	sadd.s32 s25, s2;
	s24 =	simm.s32 $0x1DC00  }
0xf: {  	s25 =	simm.s32 $0x1;
	s4 =	sor.u32 s4, s6;
	s5 =	sadd.s32 $0x4400, s5  }
0x10: {  	s7 =	smax.u32 s7, $0x1;
	s6 =	sshrl.u32 s4, $0x3;
	s4 =	sadd.s32 $0x1E200, s1  }
0x11: {  	s6 =	sadd.s32 s6, s1;
	s1 =	sadd.s32 $0x6C600, s1;
	s3 =	smov.u32 @p0 s4  }
0x12: {  	s1 =	smov.u32 @p0 s9;
	p0 =	sgt.u32 s11, $0x9;
	s6 =	sadd.s32 $0x14400, s6  }
0x13: {  	s8 =	sadd.s32 s3, s26;
	s3 =	simm.s32 $0x17680;
	s11 =	sshll.u32 @!p0 s11, $0x6  }
0x14: {  	s9 =	sadd.s32 s1, s26;
	s26 =	simm.s32 $0x50;
	s1 =	simm.s32 $0x13900  }
0x15: {  	s10 =	sor.u32 @!p0 $0x1C01, s11;
	s11 =	sshrl.u32 @!p0 s0, $0x3;
	s0 =	simm.s32 $0x4  }
.LBB2_1:
0x16: {  	[spmem:s11], [sflag:s10] =	dma.local @!p0 [hbm:s8], $0x3E80  }
0x17: {  	s15 =	simm.s32 $0x0  }
0x18: {  	[tilespmem:s12], [sflag:$0x5] =	stream.linear.gather [hbm4b:s5+s15], $0x3E80, $0x38;
	[tilespmem:$0x1F000] =	vst v63  }
0x19: {  	_ =	swait.ge [sflag:s13], $0x3E80  }
0x1a: {  	[sflag:s13] =	ssyncset.done $0x0  }
0x1b: {  	s23 =	simm.s32 $0x80;
	s19 =	simm.s32 $0x400;
	[sflag:s13] =	ssyncadd.s32 $0xFFFFC180  }
0x1c: {  	[tilespmem:s16], [sflag:$0x5] =	stream.strided.gather [hbm4b:s6+s23], $0x2780, s19, s23, $0x38;
	[tilespmem:$0x1F000] =	vst v63  }
0x1d: {  	_ =	swait.ge [sflag:s13], $0x2780  }
0x1e: {  	[sflag:s13] =	ssyncset.done $0x0  }
0x1f: {  	s15 =	simm.s32 @!p0 $0x1;
	[sflag:s13] =	ssyncadd.s32 $0xFFFFD880  }
0x20: {  	_ =	swait.ge @!p0 [sflag:s15], $0x3E80  }
0x21: {  	[sflag:s15] =	ssyncset.done @!p0 $0x0  }
0x22: {  	[sflag:s15] =	ssyncadd.s32 @!p0 $0xFFFFC180  }
0x23: {  	[bflag:$0x0] =	sbarrier.arrive $0xFFFF  }
0x24: {  	[tilespmem:s18], [sflag:$0x1] =	stream.indirect.gather [hbm4b:s4+s17], $0x80, s16, s17, $0xb8;
	[tilespmem:$0x1F000] =	vst v63  }
0x25: {  	s21 =	simm.s32 $0x178A8  }
0x26: {  	[tilespmem:s20], [sflag:$0x1] =	stream.indirect.gather [hbm4b:s4+s17], $0x80, s21, s17, $0xb8;
	[tilespmem:$0x1F000] =	vst v63  }
0x27: {  	s23 =	simm.s32 $0x178D0  }
0x28: {  	[tilespmem:s22], [sflag:$0x2] =	stream.indirect.gather [hbm4b:s4+s17], $0x80, s23, s17, $0xb8;
	[tilespmem:$0x1F000] =	vst v63  }
0x29: {  	s19 =	simm.s32 $0x178F8  }
0x2a: {  	[tilespmem:s24], [sflag:$0x2] =	stream.indirect.gather [hbm4b:s4+s17], $0x80, s19, s17, $0xb8;
	[tilespmem:$0x1F000] =	vst v63  }
0x2b: {  	_ =	swait.ge [sflag:s25], $0x1400  }
0x2c: {  	[sflag:s25] =	ssyncset.done $0x0  }
0x2d: {  	[sflag:s25] =	ssyncadd.s32 $0xFFFFEC00  }
0x2e: {  	_ =	swait.ge [sflag:s25], $0x1400  }
0x2f: {  	[sflag:s25] =	ssyncset.done $0x0  }
0x30: {  	[sflag:s25] =	ssyncadd.s32 $0xFFFFEC00  }
0x31: {  	[spmem:s2] =	stream.indirect.scatter.add.f32 [tilespmem:s18], [sflag:$0x3], $0x80, s12, s26, $0xb8;
	[tilespmem:$0x1F000] =	vst v63  }
0x32: {  	_ =	swait.ge [sflag:s28], $0x2800  }
0x33: {  	[sflag:s28] =	ssyncset.done $0x0  }
0x34: {  	[sflag:s28] =	ssyncadd.s32 $0xFFFFD800  }
0x35: {  	[tilespmem:s18], [sflag:$0x1] =	stream.indirect.gather [hbm4b:s4+s17], $0x80, s29, s17, $0xb8;
	[tilespmem:$0x1F000] =	vst v63  }
0x36: {  	_ = 	snop  }
0x37: {  	[tilespmem:s20], [sflag:$0x1] =	stream.indirect.gather [hbm4b:s4+s17], $0x80, s30, s17, $0xb8;
	[tilespmem:$0x1F000] =	vst v63  }
0x38: {  	_ =	swait.ge [sflag:s31], $0x1400  }
0x39: {  	[sflag:s31] =	ssyncset.done $0x0  }
0x3a: {  	[sflag:s31] =	ssyncadd.s32 $0xFFFFEC00  }
0x3b: {  	_ =	swait.ge [sflag:s31], $0x1400  }
0x3c: {  	[sflag:s31] =	ssyncset.done $0x0  }
0x3d: {  	[sflag:s31] =	ssyncadd.s32 $0xFFFFEC00  }
0x3e: {  	[spmem:s2] =	stream.indirect.scatter.add.f32 [tilespmem:s22], [sflag:$0x4], $0x80, s1, s26, $0xb8;
	[tilespmem:$0x1F000] =	vst v63  }
0x3f: {  	_ =	swait.ge [sflag:s0], $0x2800  }
0x40: {  	[sflag:s0] =	ssyncset.done $0x0  }
0x41: {  	s21 =	simm.s32 $0x17970;
	[sflag:s0] =	ssyncadd.s32 $0xFFFFD800  }
0x42: {  	[tilespmem:s22], [sflag:$0x2] =	stream.indirect.gather [hbm4b:s4+s17], $0x80, s21, s17, $0xb8;
	[tilespmem:$0x1F000] =	vst v63  }
0x43: {  	s23 =	simm.s32 $0x17998  }
0x44: {  	[tilespmem:s24], [sflag:$0x2] =	stream.indirect.gather [hbm4b:s4+s17], $0x80, s23, s17, $0xb8;
	[tilespmem:$0x1F000] =	vst v63  }
0x45: {  	_ =	swait.ge [sflag:s25], $0x1400  }
0x46: {  	[sflag:s25] =	ssyncset.done $0x0  }
0x47: {  	[sflag:s25] =	ssyncadd.s32 $0xFFFFEC00  }
0x48: {  	_ =	swait.ge [sflag:s25], $0x1400  }
0x49: {  	[sflag:s25] =	ssyncset.done $0x0  }
0x4a: {  	s19 =	simm.s32 $0x13980;
	[sflag:s25] =	ssyncadd.s32 $0xFFFFEC00  }
0x4b: {  	[spmem:s2] =	stream.indirect.scatter.add.f32 [tilespmem:s18], [sflag:$0x3], $0x80, s19, s26, $0xb8;
	[tilespmem:$0x1F000] =	vst v63  }
0x4c: {  	_ =	swait.ge [sflag:s28], $0x2800  }
0x4d: {  	[sflag:s28] =	ssyncset.done $0x0  }
0x4e: {  	s21 =	simm.s32 $0x179C0;
	[sflag:s28] =	ssyncadd.s32 $0xFFFFD800  }
0x4f: {  	[tilespmem:s18], [sflag:$0x1] =	stream.indirect.gather [hbm4b:s4+s17], $0x80, s21, s17, $0xb8;
	[tilespmem:$0x1F000] =	vst v63  }
0x50: {  	s23 =	simm.s32 $0x179E8  }
0x51: {  	[tilespmem:s20], [sflag:$0x1] =	stream.indirect.gather [hbm4b:s4+s17], $0x80, s23, s17, $0xb8;
	[tilespmem:$0x1F000] =	vst v63  }
0x52: {  	_ =	swait.ge [sflag:s31], $0x1400  }
0x53: {  	[sflag:s31] =	ssyncset.done $0x0  }
0x54: {  	[sflag:s31] =	ssyncadd.s32 $0xFFFFEC00  }
0x55: {  	_ =	swait.ge [sflag:s31], $0x1400  }
0x56: {  	s15 =	simm.s32 $0x280;
	[sflag:s31] =	ssyncset.done $0x0  }
0x57: {  	s19 =	simm.s32 $0x13A80;
	s21 =	simm.s32 $0x13A00;
	[sflag:s31] =	ssyncadd.s32 $0xFFFFEC00  }
.LBB2_2:
0x58: {  	[spmem:s2] =	stream.indirect.scatter.add.f32 [tilespmem:s22], [sflag:$0x4], $0x80, s21, s26, $0xb8;
	[tilespmem:$0x1F000] =	vst v63  }
0x59: {  	s21 =	smov.u32 s15  }
0x5a: {  	p1 =	sne.s32 s15, $0x9600;
	s15 =	sadd.s32 $0x280, s15;
	_ =	swait.ge [sflag:s0], $0x2800  }
0x5b: {  	s21 =	sshra.s32 s21, $0x2;
	[sflag:s0] =	ssyncset.done $0x0  }
0x5c: {  	s23 =	sadd.s32 $0x17970, s21;
	[sflag:s0] =	ssyncadd.s32 $0xFFFFD800  }
0x5d: {  	[tilespmem:s22], [sflag:$0x2] =	stream.indirect.gather [hbm4b:s4+s17], $0x80, s23, s17, $0xb8;
	[tilespmem:$0x1F000] =	vst v63  }
0x5e: {  	s23 =	sadd.s32 $0x17998, s21  }
0x5f: {  	[tilespmem:s24], [sflag:$0x2] =	stream.indirect.gather [hbm4b:s4+s17], $0x80, s23, s17, $0xb8;
	[tilespmem:$0x1F000] =	vst v63  }
0x60: {  	_ =	swait.ge [sflag:s25], $0x1400  }
0x61: {  	[sflag:s25] =	ssyncset.done $0x0  }
0x62: {  	[sflag:s25] =	ssyncadd.s32 $0xFFFFEC00  }
0x63: {  	_ =	swait.ge [sflag:s25], $0x1400  }
0x64: {  	[sflag:s25] =	ssyncset.done $0x0  }
0x65: {  	[sflag:s25] =	ssyncadd.s32 $0xFFFFEC00  }
0x66: {  	[spmem:s2] =	stream.indirect.scatter.add.f32 [tilespmem:s18], [sflag:$0x3], $0x80, s19, s26, $0xb8;
	[tilespmem:$0x1F000] =	vst v63  }
0x67: {  	_ =	swait.ge [sflag:s28], $0x2800  }
0x68: {  	[sflag:s28] =	ssyncset.done $0x0  }
0x69: {  	s23 =	sadd.s32 $0x179C0, s21;
	[sflag:s28] =	ssyncadd.s32 $0xFFFFD800  }
0x6a: {  	[tilespmem:s18], [sflag:$0x1] =	stream.indirect.gather [hbm4b:s4+s17], $0x80, s23, s17, $0xb8;
	[tilespmem:$0x1F000] =	vst v63  }
0x6b: {  	s21 =	sadd.s32 $0x179E8, s21  }
0x6c: {  	[tilespmem:s20], [sflag:$0x1] =	stream.indirect.gather [hbm4b:s4+s17], $0x80, s21, s17, $0xb8;
	[tilespmem:$0x1F000] =	vst v63  }
0x6d: {  	_ =	swait.ge [sflag:s31], $0x1400  }
.Ltmp0:
0x6e: {  	[sflag:s31] =	ssyncset.done $0x0;
	(pc) =	sbr.rel @p1 .LBB2_2-.Ltmp0, $4  }
0x6f: {  	[sflag:s31] =	ssyncadd.s32 $0xFFFFEC00  }
0x70: {  	_ =	swait.ge [sflag:s31], $0x1400  }
0x71: {  	[sflag:s31] =	ssyncset.done $0x0  }
0x72: {  	s21 =	sadd.s32 $0x80, s19;
	s19 =	sadd.s32 $0x100, s19;
	[sflag:s31] =	ssyncadd.s32 $0xFFFFEC00  }
0x73: {  	[spmem:s2] =	stream.indirect.scatter.add.f32 [tilespmem:s22], [sflag:$0x4], $0x80, s21, s26, $0xb8;
	[tilespmem:$0x1F000] =	vst v63  }
0x74: {  	_ =	swait.ge [sflag:s25], $0x1400  }
0x75: {  	[sflag:s25] =	ssyncset.done $0x0  }
0x76: {  	[sflag:s25] =	ssyncadd.s32 $0xFFFFEC00  }
0x77: {  	_ =	swait.ge [sflag:s25], $0x1400  }
0x78: {  	[sflag:s25] =	ssyncset.done $0x0  }
0x79: {  	[sflag:s25] =	ssyncadd.s32 $0xFFFFEC00  }
0x7a: {  	[spmem:s2] =	stream.indirect.scatter.add.f32 [tilespmem:s18], [sflag:$0x3], $0x80, s3, s26, $0xb8;
	[tilespmem:$0x1F000] =	vst v63  }
0x7b: {  	_ =	swait.ge [sflag:s0], $0x2800  }
0x7c: {  	[sflag:s0] =	ssyncset.done $0x0  }
0x7d: {  	[sflag:s0] =	ssyncadd.s32 $0xFFFFD800  }
0x7e: {  	_ =	swait.ge [sflag:s28], $0x2800  }
0x7f: {  	s14 =	sadd.s32 $0x1, s14;
	[sflag:s28] =	ssyncset.done $0x0  }
0x80: {  	p1 =	sne.s32 s14, s7;
	[sflag:s28] =	ssyncadd.s32 $0xFFFFD800  }
.Ltmp1:
0x81: {  	s15 =	simm.s32 @!p0 $0x1;
	[bflag:$0x0] =	sbarrier.arrive $0xFFFF;
	(pc) =	sbr.rel @p1 .LBB2_1-.Ltmp1, $4  }
0x82: {  	[hbm:s9], [sflag:s10] =	dma.local @!p0 [spmem:s11], $0x3E80  }
0x83: {  	_ =	swait.ge @!p0 [sflag:s15], $0x3E80  }
0x84: {  	[sflag:s15] =	ssyncset.done @!p0 $0x0  }
0x85: {  	[sflag:s15] =	ssyncadd.s32 @!p0 $0xFFFFC180  }
0x86: {  	_ =	sfence.sel $0x180000  }
0x87: {  	[bflag:$0x0] =	sbarrier.arrive $0xFFFF  }
0x88: {  	_ =	strace $0x9000004A  }
0x89: {  	s0 =	stileid.u32;
	[bflag:$0x2] =	sbarrier.arrive $0xFFFF  }
0x8a: {  	p0 =	sne.s32 s0, $0x0;
	s0 =	rddreg [dreg:$0x3]  }
0x8b: {  	s0 =	sadd.s32 @!p0 $0x100000, s0  }
0x8c: {  	[sflag:s0] =	ssyncadd.tile.s32 @!p0 $0x1;
	_ =	shalt  }
.Lfunc_end2:
_tile_overlayer_lowered:
.L_overlay_start_2:
0x8d: {  	(tag) =	ssettag $0x2  }
0x8e: {  	s0 =	rddreg [dreg:$0x0];
	s2 =	stileid.u32  }
0x8f: {  	s1 =	rddreg [dreg:$0x1];
	p0 =	sne.s32 s2, $0x0  }
0x90: {  	s3 =	rddreg [dreg:$0x2];
	[bflag:$0x3] =	sbarrier.arrive $0xFFFF;
	s2 =	simm.s32 @!p0 $0x1C05  }
0x91: {  	[timem:s3], [sflag:s2] =	dma.local @!p0 [hbm:s0], s1  }
0x92: {  	s0 =	simm.s32 @!p0 $0x5  }
0x93: {  	_ =	swait.ge @!p0 [sflag:s0], s1  }
0x94: {  	s1 =	ssub.s32 @!p0 $0x0, s1;
	[sflag:s0] =	ssyncset.done @!p0 $0x0  }
0x95: {  	[sflag:s0] =	ssyncadd.s32 @!p0 s1  }
0x96: {  	[bflag:$0x3] =	sbarrier.arrive $0xFFFF  }
0x97: {  	_ =	shalt  }

// kernel: kernel.14.cloned.1.call-start
scs
__scs_entry_jumppad:
0x0: {  	(pc) =	sbr.rel $0x88, $3  }
0x1: {  	(tag) =	ssettag $0x0;
	lr =	simm.s32 $0x1  }
0x2: {  	[smem:$0x3F8D] =	sst lr;
	_ =	strace $0xD0000000  }
0x3: {  	_ = 	snop  }
0x4: {  	_ = 	snop  }
0x5: {  	_ = 	snop  }
0x6: {  	_ = 	snop  }
0x7: {  	_ = 	snop  }
__scs_overlays_trampoline_lowered:
0x8: {  	[smem:$0x3F9C] =	sst s0  }
0x9: {  	[smem:$0x3F9D] =	sst s1  }
0xa: {  	[smem:$0x3F9E] =	sst s2  }
0xb: {  	[smem:$0x3F9F] =	sst s3  }
0xc: {  	[smem:$0x3FA0] =	sst s4  }
0xd: {  	[smem:$0x3FA1] =	sst s5  }
0xe: {  	[smem:$0x3FA2] =	sst s6  }
0xf: {  	[smem:$0x3FA3] =	sst s7  }
0x10: {  	[smem:$0x3FA4] =	sst s8  }
0x11: {  	[smem:$0x3FA5] =	sst s9;
	s0 =	simm.s32 @!p0 $0x0  }
0x12: {  	s1 =	sld [smem:$0x3F8B];
	s0 =	simm.s32 @p0 $0x1  }
0x13: {  	[smem:$0x3FA6] =	sst s0;
	s0 =	simm.s32 @!p1 $0x0  }
0x14: {  	s2 =	sld [smem:$0x3F8A];
	s0 =	simm.s32 @p1 $0x1  }
0x15: {  	[smem:$0x3FA7] =	sst s0;
	s0 =	simm.s32 @!p2 $0x0  }
0x16: {  	s3 =	sld [smem:$0x3FDB];
	s0 =	simm.s32 @p2 $0x1  }
0x17: {  	s4 =	simm.s32 $0x1BF5;
	[smem:$0x3FA9] =	sst s0  }
0x18: {  	s0 =	sld [smem:$0x3F8C];
	_ =	swait.ge [sflag:s4], $0x0  }
0x19: {  	s7 =	sld [smem:$0x3F8D]  }
0x1a: {  	s8 =	sadd.s32 $0xFFFFE003, lr  }
0x1b: {  	s9 =	sadd.s32 $0xFFFFFEF7, lr;
	s5 =	simm.s32 $0xFFFFFFFF;
	p2 =	slt.u32 s8, $0xFFFFF086  }
0x1c: {  	p1 =	slt.u32 s9, $0xF7A;
	s5 =	simm.s32 @!p2 $0x0  }
0x1d: {  	s5 =	simm.s32 @p1 $0x1;
	p0 =	seq.s32 s7, s2  }
0x1e: {  	s7 =	smul.u32 @!p0 $0xF7A, s2;
	p2 =	seq.s32 @!p0 s5, $0x0  }
0x1f: {  	s9 =	smul.u32 $0xF7A, s1;
	s8 =	simm.s32 @!p0 $0x1BF5;
	p2 =	por !p2, p0  }
0x20: {  	[sflag:s8] =	ssyncset.s32 @!p0 $0xFFFFF086;
	s6 =	sadd.s32 @!p0 s3, s7;
	s7 =	simm.s32 @!p0 $0x108  }
0x21: {  	s3 =	sadd.s32 s3, s9;
	s6 =	sadd.s32 @!p0 $0x88, s6;
	s7 =	simm.s32 @p2 $0x1082  }
0x22: {  	[simem:s7], [sflag:s8] =	dma.local @!p0 [hbm:s6], $0xF7A  }
0x23: {  	s9 =	sor.u32 $0xD0000000, s2;
	s6 =	simm.s32 $0x108;
	_ =	swait.ge @!p0 [sflag:s8], $0x0  }
0x24: {  	s3 =	sadd.s32 $0x88, s3;
	s6 =	simm.s32 @!p1 $0x1082;
	[sflag:s4] =	ssyncset.s32 $0xFFFFF086  }
0x25: {  	[simem:s6], [sflag:s4] =	dma.local [hbm:s3], $0xF7A  }
0x26: {  	[smem:$0x3F8D] =	sst s1;
	(tag) =	ssettag s2;
	_ =	strace s9  }
0x27: {  	s1 =	sld [smem:$0x3F9D]  }
0x28: {  	s2 =	sld [smem:$0x3F9E]  }
0x29: {  	s4 =	sld [smem:$0x3FA0]  }
0x2a: {  	p0 =	seq.s32 s5, $0x0;
	s5 =	sld [smem:$0x3FA1]  }
0x2b: {  	s6 =	sld [smem:$0x3FA2]  }
0x2c: {  	s7 =	sld [smem:$0x3FA3]  }
0x2d: {  	s3 =	simm.s32 $0x108;
	s8 =	sld [smem:$0x3FA4]  }
0x2e: {  	s3 =	simm.s32 @!p0 $0x1082;
	s9 =	sld [smem:$0x3FA5]  }
0x2f: {  	lr =	sadd.s32 s0, s3;
	s0 =	sld [smem:$0x3F9C]  }
0x30: {  	s3 =	sld [smem:$0x3F9F]  }
0x31: {  	[smem:$0x3FA8] =	sst s10  }
0x32: {  	s10 =	sld [smem:$0x3FA6];
	_ =	sdelay $0x3  }
0x33: {  	p0 =	seq.s32 s10, $0x1;
	s10 =	sld [smem:$0x3FA8];
	_ =	sdelay $0x3  }
0x34: {  	[smem:$0x3FA8] =	sst s10  }
0x35: {  	s10 =	sld [smem:$0x3FA7];
	_ =	sdelay $0x3  }
0x36: {  	p1 =	seq.s32 s10, $0x1;
	s10 =	sld [smem:$0x3FA8];
	_ =	sdelay $0x3  }
0x37: {  	[smem:$0x3FA8] =	sst s10  }
0x38: {  	s10 =	sld [smem:$0x3FA9]  }
0x39: {  	_ = 	snop;
	(pc) =	sbr.ind lr, $3  }
0x3a: {  	_ = 	snop  }
0x3b: {  	_ = 	snop  }
0x3c: {  	p2 =	seq.s32 s10, $0x1;
	s10 =	sld [smem:$0x3FA8]  }
0x3d: {  	_ =	shalt  }
0x3e: {  	_ =	shalt  }
0x3f: {  	_ =	shalt  }
0x40: {  	_ =	shalt  }
0x41: {  	_ =	shalt  }
0x42: {  	_ =	shalt  }
0x43: {  	_ =	shalt  }
0x44: {  	_ =	shalt  }
0x45: {  	_ =	shalt  }
0x46: {  	_ =	shalt  }
0x47: {  	_ =	shalt  }
0x48: {  	_ =	shalt  }
0x49: {  	_ =	shalt  }
0x4a: {  	_ =	shalt  }
0x4b: {  	_ =	shalt  }
0x4c: {  	_ =	shalt  }
0x4d: {  	_ =	shalt  }
0x4e: {  	_ =	shalt  }
0x4f: {  	_ =	shalt  }
0x50: {  	_ =	shalt  }
0x51: {  	_ =	shalt  }
0x52: {  	_ =	shalt  }
0x53: {  	_ =	shalt  }
0x54: {  	_ =	shalt  }
0x55: {  	_ =	shalt  }
0x56: {  	_ =	shalt  }
0x57: {  	_ =	shalt  }
0x58: {  	_ =	shalt  }
0x59: {  	_ =	shalt  }
0x5a: {  	_ =	shalt  }
0x5b: {  	_ =	shalt  }
0x5c: {  	_ =	shalt  }
0x5d: {  	_ =	shalt  }
0x5e: {  	_ =	shalt  }
0x5f: {  	_ =	shalt  }
0x60: {  	_ =	shalt  }
0x61: {  	_ =	shalt  }
0x62: {  	_ =	shalt  }
0x63: {  	_ =	shalt  }
0x64: {  	_ =	shalt  }
0x65: {  	_ =	shalt  }
0x66: {  	_ =	shalt  }
0x67: {  	_ =	shalt  }
0x68: {  	_ =	shalt  }
0x69: {  	_ =	shalt  }
0x6a: {  	_ =	shalt  }
0x6b: {  	_ =	shalt  }
0x6c: {  	_ =	shalt  }
0x6d: {  	_ =	shalt  }
0x6e: {  	_ =	shalt  }
0x6f: {  	_ =	shalt  }
0x70: {  	_ =	shalt  }
0x71: {  	_ =	shalt  }
0x72: {  	_ =	shalt  }
0x73: {  	_ =	shalt  }
0x74: {  	_ =	shalt  }
0x75: {  	_ =	shalt  }
0x76: {  	_ =	shalt  }
0x77: {  	_ =	shalt  }
0x78: {  	_ =	shalt  }
0x79: {  	_ =	shalt  }
0x7a: {  	_ =	shalt  }
0x7b: {  	_ =	shalt  }
0x7c: {  	_ =	shalt  }
0x7d: {  	_ =	shalt  }
0x7e: {  	_ =	shalt  }
0x7f: {  	_ =	shalt  }
0x80: {  	_ =	shalt  }
0x81: {  	_ =	shalt  }
0x82: {  	_ =	shalt  }
0x83: {  	_ =	shalt  }
0x84: {  	_ =	shalt  }
0x85: {  	_ =	shalt  }
0x86: {  	_ =	shalt  }
0x87: {  	_ =	shalt  }
.Lfunc_end0:
.L_simem_size_0:
called_computation.2_lowered:
.L_overlay_start_0:
0x88: {  	s2 =	sld [smem:$0x3FD9]  }
0x89: {  	s3 =	sld [smem:$0x3FFE];
	_ =	sdelay $0x1  }
0x8a: {  	s1 =	srdreg.scid  }
0x8b: {  	s0 =	sand.u32 $0x1, s1  }
0x8c: {  	s17 =	sshll.u32 s0, $0xA;
	s2 =	sadd.s32 s3, s2  }
0x8d: {  	s2 =	sadd.s32 s2, s17  }
0x8e: {  	[smem:$0x3FB4] =	sst s2  }
0x8f: {  	_ = 	snop  }
0x90: {  	s2 =	sld [smem:$0x3FD0];
	(tm) =	ssettm $0x1  }
0x91: {  	s18 =	sld [smem:$0x3FFB];
	_ =	sdelay $0x3  }
0x92: {  	_ =	strace s18  }
0x93: {  	s3 =	sld [smem:$0x3FFC];
	_ =	sdelay $0x3  }
0x94: {  	_ =	strace s3  }
0x95: {  	s3 =	sld [smem:$0x3FFD];
	_ =	sdelay $0x3  }
0x96: {  	_ =	strace s3  }
0x97: {  	_ =	strace $0x8FFFFFFF  }
0x98: {  	s19 =	sld [smem:$0x3FDB];
	_ =	sdelay $0x1  }
0x99: {  	s4 =	simm.s32 $_scs_section_size  }
0x9a: {  	s5 =	simm.s32 $_size__tile_overlayer_lowered;
	s6 =	simm.s32 $_tile_overlayer_lowered  }
0x9b: {  	s22 =	simm.s32 $0x1BFF;
	s21 =	sshll.u32 s6, $0x1;
	s3 =	sadd.s32 s4, s19  }
0x9c: {  	s7 =	simm.s32 $0x0;
	s20 =	sshll.u32 s5, $0x1;
	s5 =	sadd.s32 s21, s3  }
0x9d: {  	[timem:s7], [sflag:s22] =	dma.local [hbm:s5], s20  }
0x9e: {  	_ =	swait.ge [sflag:s22], s20  }
0x9f: {  	s4 =	ssub.s32 $0x0, s20;
	[sflag:s22] =	ssyncset.done $0x0  }
0xa0: {  	[sflag:s22] =	ssyncadd.s32 s4;
	_ =	sdelay $0x1  }
0xa1: {  	s23 =	simm.s32 $0x1B8B  }
0xa2: {  	_ =	swait.ge [sflag:s23], $0x1  }
0xa3: {  	[sflag:s23] =	ssyncset.done $0x0  }
0xa4: {  	s25 =	simm.s32 $0x1B8E;
	s24 =	sld [smem:$0x3FFE];
	[sflag:s23] =	ssyncadd.s32 $0xFFFFFFFF  }
0xa5: {  	s26 =	simm.s32 $execute0_lowered;
	[smem:$0x3FD2] =	sst s25  }
0xa6: {  	s5 =	sshll.u32 s26, $0x1;
	_ =	strace $0x8000004C;
	[dreg:$0x1] =	wrdreg $0xFFFFFFFF  }
0xa7: {  	s28 =	simm.s32 $_size_execute0_lowered;
	s3 =	sadd.s32 s3, s5;
	[dreg:$0x0] =	wrdreg $0x0  }
0xa8: {  	s5 =	sshll.u32 s28, $0x1;
	[dreg:$0x2] =	wrdreg s3  }
0xa9: {  	[dreg:$0x3] =	wrdreg s5  }
0xaa: {  	[dreg:$0x4] =	wrdreg $0xC0  }
0xab: {  	_ =	task [dreg:s7], $0x5FFFF  }
0xac: {  	[dreg:$0x1] =	wrdreg $0xFFFFFFFF  }
0xad: {  	[dreg:$0x0] =	wrdreg $0x60  }
0xae: {  	[dreg:$0x2] =	wrdreg s24  }
0xaf: {  	[dreg:$0x3] =	wrdreg s2  }
0xb0: {  	[dreg:$0x4] =	wrdreg $0x0  }
0xb1: {  	[dreg:$0x5] =	wrdreg $0x9  }
0xb2: {  	_ =	task.clear_ibuf [dreg:s7], $0x6FFFF;
	_ =	strace $0x9000004C  }
0xb3: {  	s29 =	simm.s32 $0x9;
	_ =	strace $0x8000004E  }
0xb4: {  	_ =	swait.ge [sflag:s29], $0x1  }
0xb5: {  	[sflag:s29] =	ssyncadd.s32 $0xFFFFFFFF  }
0xb6: {  	_ =	strace $0x9000004E  }
0xb7: {  	_ =	sfence  }
0xb8: {  	s30 =	sld [smem:$0x0];
	_ =	sdelay $0x2  }
0xb9: {  	s31 =	sshll.u32 s1, $0xD;
	s1 =	sshrl.u32 s1, $0x2  }
0xba: {  	s3 =	sand.u32 $0x4000, s31;
	s1 =	sadd.s32 s1, s30  }
0xbb: {  	s0 =	sor.u32 s3, s0;
	s1 =	sshll.u32 s1, $0x11  }
0xbc: {  	s0 =	sor.u32 s1, s0  }
0xbd: {  	s0 =	sadd.s32 $0x8F2B, s0  }
0xbe: {  	[sflag:s0] =	ssyncadd.remote.s32 $0x1  }
0xbf: {  	_ =	sfence.sel $0xFFFF  }
0xc0: {  	[dreg:$0x0] =	wrdreg $0xFFFFFFFF;
	(pc) =	sbr.abs _section_cstart, $3  }
0xc1: {  	[dreg:$0x1] =	wrdreg $0xFFFFFFFF  }
0xc2: {  	_ =	task.clear_ibuf [dreg:s7], $0x2FFFF;
	_ =	strace $0x9FFFFFFF  }
0xc3: {  	(tm) =	ssettm $0x7FFFFFFF  }
tec
execute0_lowered:
.L_overlay_start_1:
0x0: {  	(tag) =	ssettag $0x1  }
0x1: {  	s0 =	srdreg.scid  }
0x2: {  	s11 =	stileid.u32;
	s1 =	rddreg [dreg:$0x0]  }
0x3: {  	s3 =	rddreg [dreg:$0x1];
	s7 =	simm.s32 $0x0;
	s12 =	simm.s32 $0x13880  }
0x4: {  	s13 =	simm.s32 $0x5;
	s16 =	simm.s32 $0x17880;
	s17 =	simm.s32 $0x28  }
0x5: {  	s18 =	simm.s32 $0x1A000;
	s20 =	simm.s32 $0x1B400;
	s22 =	simm.s32 $0x1C800  }
0x6: {  	s28 =	simm.s32 $0x3;
	s29 =	simm.s32 $0x17920;
	s30 =	simm.s32 $0x17948  }
0x7: {  	s31 =	simm.s32 $0x2;
	s14 =	simm.s32 $0x0;
	s0 =	sand.u32 $0x1, s0  }
0x8: {  	s2 =	sshll.u32 s11, $0x1;
	s4 =	sshrl.u32 s11, $0x2;
	s8 =	smul.u32 $0x7D000, s11  }
0x9: {  	[smem:$0x7FF] =	sst s7;
	s9 =	sadd.s32 $0x45400, s1;
	s26 =	smul.u32 $0x3E80, s11  }
0xa: {  	s5 =	sor.u32 s0, s2;
	s2 =	rddreg [dreg:$0x2];
	s4 =	smul.u32 $0x13C00, s4  }
0xb: {  	_ =	strace $0x8000004D;
	s24 =	ssub.s32 $0x2, s0;
	p0 =	seq.s32 s0, $0x0  }
0xc: {  	s6 =	sshll.u32 s5, $0x7;
	s5 =	sshll.u32 s5, $0xB;
	s10 =	sshrl.u32 s24, $0x1  }
0xd: {  	s25 =	sshrl.u32 s8, $0x2;
	s6 =	sand.u32 $0x380, s6;
	s5 =	sadd.s32 s5, s1  }
0xe: {  	s7 =	ssub.s32 s24, s10;
	s0 =	sadd.s32 s25, s2;
	s24 =	simm.s32 $0x1DC00  }
0xf: {  	s25 =	simm.s32 $0x1;
	s4 =	sor.u32 s4, s6;
	s5 =	sadd.s32 $0x4400, s5  }
0x10: {  	s7 =	smax.u32 s7, $0x1;
	s6 =	sshrl.u32 s4, $0x3;
	s4 =	sadd.s32 $0x1E200, s1  }
0x11: {  	s6 =	sadd.s32 s6, s1;
	s1 =	sadd.s32 $0x6C600, s1;
	s3 =	smov.u32 @p0 s4  }
0x12: {  	s1 =	smov.u32 @p0 s9;
	p0 =	sgt.u32 s11, $0x9;
	s6 =	sadd.s32 $0x14400, s6  }
0x13: {  	s8 =	sadd.s32 s3, s26;
	s3 =	simm.s32 $0x17680;
	s11 =	sshll.u32 @!p0 s11, $0x6  }
0x14: {  	s9 =	sadd.s32 s1, s26;
	s26 =	simm.s32 $0x50;
	s1 =	simm.s32 $0x13900  }
0x15: {  	s10 =	sor.u32 @!p0 $0x1C01, s11;
	s11 =	sshrl.u32 @!p0 s0, $0x3;
	s0 =	simm.s32 $0x4  }
.LBB2_1:
0x16: {  	[spmem:s11], [sflag:s10] =	dma.local @!p0 [hbm:s8], $0x3E80  }
0x17: {  	s15 =	simm.s32 $0x0  }
0x18: {  	[tilespmem:s12], [sflag:$0x5] =	stream.linear.gather [hbm4b:s5+s15], $0x3E80, $0x38;
	[tilespmem:$0x1F000] =	vst v63  }
0x19: {  	_ =	swait.ge [sflag:s13], $0x3E80  }
0x1a: {  	[sflag:s13] =	ssyncset.done $0x0  }
0x1b: {  	s23 =	simm.s32 $0x80;
	s19 =	simm.s32 $0x400;
	[sflag:s13] =	ssyncadd.s32 $0xFFFFC180  }
0x1c: {  	[tilespmem:s16], [sflag:$0x5] =	stream.strided.gather [hbm4b:s6+s23], $0x2780, s19, s23, $0x38;
	[tilespmem:$0x1F000] =	vst v63  }
0x1d: {  	_ =	swait.ge [sflag:s13], $0x2780  }
0x1e: {  	[sflag:s13] =	ssyncset.done $0x0  }
0x1f: {  	s15 =	simm.s32 @!p0 $0x1;
	[sflag:s13] =	ssyncadd.s32 $0xFFFFD880  }
0x20: {  	_ =	swait.ge @!p0 [sflag:s15], $0x3E80  }
0x21: {  	[sflag:s15] =	ssyncset.done @!p0 $0x0  }
0x22: {  	[sflag:s15] =	ssyncadd.s32 @!p0 $0xFFFFC180  }
0x23: {  	[bflag:$0x0] =	sbarrier.arrive $0xFFFF  }
0x24: {  	[tilespmem:s18], [sflag:$0x1] =	stream.indirect.gather [hbm4b:s4+s17], $0x80, s16, s17, $0xb8;
	[tilespmem:$0x1F000] =	vst v63  }
0x25: {  	s21 =	simm.s32 $0x178A8  }
0x26: {  	[tilespmem:s20], [sflag:$0x1] =	stream.indirect.gather [hbm4b:s4+s17], $0x80, s21, s17, $0xb8;
	[tilespmem:$0x1F000] =	vst v63  }
0x27: {  	s23 =	simm.s32 $0x178D0  }
0x28: {  	[tilespmem:s22], [sflag:$0x2] =	stream.indirect.gather [hbm4b:s4+s17], $0x80, s23, s17, $0xb8;
	[tilespmem:$0x1F000] =	vst v63  }
0x29: {  	s19 =	simm.s32 $0x178F8  }
0x2a: {  	[tilespmem:s24], [sflag:$0x2] =	stream.indirect.gather [hbm4b:s4+s17], $0x80, s19, s17, $0xb8;
	[tilespmem:$0x1F000] =	vst v63  }
0x2b: {  	_ =	swait.ge [sflag:s25], $0x1400  }
0x2c: {  	[sflag:s25] =	ssyncset.done $0x0  }
0x2d: {  	[sflag:s25] =	ssyncadd.s32 $0xFFFFEC00  }
0x2e: {  	_ =	swait.ge [sflag:s25], $0x1400  }
0x2f: {  	[sflag:s25] =	ssyncset.done $0x0  }
0x30: {  	[sflag:s25] =	ssyncadd.s32 $0xFFFFEC00  }
0x31: {  	[spmem:s2] =	stream.indirect.scatter.add.f32 [tilespmem:s18], [sflag:$0x3], $0x80, s12, s26, $0xb8;
	[tilespmem:$0x1F000] =	vst v63  }
0x32: {  	_ =	swait.ge [sflag:s28], $0x2800  }
0x33: {  	[sflag:s28] =	ssyncset.done $0x0  }
0x34: {  	[sflag:s28] =	ssyncadd.s32 $0xFFFFD800  }
0x35: {  	[tilespmem:s18], [sflag:$0x1] =	stream.indirect.gather [hbm4b:s4+s17], $0x80, s29, s17, $0xb8;
	[tilespmem:$0x1F000] =	vst v63  }
0x36: {  	_ = 	snop  }
0x37: {  	[tilespmem:s20], [sflag:$0x1] =	stream.indirect.gather [hbm4b:s4+s17], $0x80, s30, s17, $0xb8;
	[tilespmem:$0x1F000] =	vst v63  }
0x38: {  	_ =	swait.ge [sflag:s31], $0x1400  }
0x39: {  	[sflag:s31] =	ssyncset.done $0x0  }
0x3a: {  	[sflag:s31] =	ssyncadd.s32 $0xFFFFEC00  }
0x3b: {  	_ =	swait.ge [sflag:s31], $0x1400  }
0x3c: {  	[sflag:s31] =	ssyncset.done $0x0  }
0x3d: {  	[sflag:s31] =	ssyncadd.s32 $0xFFFFEC00  }
0x3e: {  	[spmem:s2] =	stream.indirect.scatter.add.f32 [tilespmem:s22], [sflag:$0x4], $0x80, s1, s26, $0xb8;
	[tilespmem:$0x1F000] =	vst v63  }
0x3f: {  	_ =	swait.ge [sflag:s0], $0x2800  }
0x40: {  	[sflag:s0] =	ssyncset.done $0x0  }
0x41: {  	s21 =	simm.s32 $0x17970;
	[sflag:s0] =	ssyncadd.s32 $0xFFFFD800  }
0x42: {  	[tilespmem:s22], [sflag:$0x2] =	stream.indirect.gather [hbm4b:s4+s17], $0x80, s21, s17, $0xb8;
	[tilespmem:$0x1F000] =	vst v63  }
0x43: {  	s23 =	simm.s32 $0x17998  }
0x44: {  	[tilespmem:s24], [sflag:$0x2] =	stream.indirect.gather [hbm4b:s4+s17], $0x80, s23, s17, $0xb8;
	[tilespmem:$0x1F000] =	vst v63  }
0x45: {  	_ =	swait.ge [sflag:s25], $0x1400  }
0x46: {  	[sflag:s25] =	ssyncset.done $0x0  }
0x47: {  	[sflag:s25] =	ssyncadd.s32 $0xFFFFEC00  }
0x48: {  	_ =	swait.ge [sflag:s25], $0x1400  }
0x49: {  	[sflag:s25] =	ssyncset.done $0x0  }
0x4a: {  	s19 =	simm.s32 $0x13980;
	[sflag:s25] =	ssyncadd.s32 $0xFFFFEC00  }
0x4b: {  	[spmem:s2] =	stream.indirect.scatter.add.f32 [tilespmem:s18], [sflag:$0x3], $0x80, s19, s26, $0xb8;
	[tilespmem:$0x1F000] =	vst v63  }
0x4c: {  	_ =	swait.ge [sflag:s28], $0x2800  }
0x4d: {  	[sflag:s28] =	ssyncset.done $0x0  }
0x4e: {  	s21 =	simm.s32 $0x179C0;
	[sflag:s28] =	ssyncadd.s32 $0xFFFFD800  }
0x4f: {  	[tilespmem:s18], [sflag:$0x1] =	stream.indirect.gather [hbm4b:s4+s17], $0x80, s21, s17, $0xb8;
	[tilespmem:$0x1F000] =	vst v63  }
0x50: {  	s23 =	simm.s32 $0x179E8  }
0x51: {  	[tilespmem:s20], [sflag:$0x1] =	stream.indirect.gather [hbm4b:s4+s17], $0x80, s23, s17, $0xb8;
	[tilespmem:$0x1F000] =	vst v63  }
0x52: {  	_ =	swait.ge [sflag:s31], $0x1400  }
0x53: {  	[sflag:s31] =	ssyncset.done $0x0  }
0x54: {  	[sflag:s31] =	ssyncadd.s32 $0xFFFFEC00  }
0x55: {  	_ =	swait.ge [sflag:s31], $0x1400  }
0x56: {  	s15 =	simm.s32 $0x280;
	[sflag:s31] =	ssyncset.done $0x0  }
0x57: {  	s19 =	simm.s32 $0x13A80;
	s21 =	simm.s32 $0x13A00;
	[sflag:s31] =	ssyncadd.s32 $0xFFFFEC00  }
.LBB2_2:
0x58: {  	[spmem:s2] =	stream.indirect.scatter.add.f32 [tilespmem:s22], [sflag:$0x4], $0x80, s21, s26, $0xb8;
	[tilespmem:$0x1F000] =	vst v63  }
0x59: {  	s21 =	smov.u32 s15  }
0x5a: {  	p1 =	sne.s32 s15, $0x9600;
	s15 =	sadd.s32 $0x280, s15;
	_ =	swait.ge [sflag:s0], $0x2800  }
0x5b: {  	s21 =	sshra.s32 s21, $0x2;
	[sflag:s0] =	ssyncset.done $0x0  }
0x5c: {  	s23 =	sadd.s32 $0x17970, s21;
	[sflag:s0] =	ssyncadd.s32 $0xFFFFD800  }
0x5d: {  	[tilespmem:s22], [sflag:$0x2] =	stream.indirect.gather [hbm4b:s4+s17], $0x80, s23, s17, $0xb8;
	[tilespmem:$0x1F000] =	vst v63  }
0x5e: {  	s23 =	sadd.s32 $0x17998, s21  }
0x5f: {  	[tilespmem:s24], [sflag:$0x2] =	stream.indirect.gather [hbm4b:s4+s17], $0x80, s23, s17, $0xb8;
	[tilespmem:$0x1F000] =	vst v63  }
0x60: {  	_ =	swait.ge [sflag:s25], $0x1400  }
0x61: {  	[sflag:s25] =	ssyncset.done $0x0  }
0x62: {  	[sflag:s25] =	ssyncadd.s32 $0xFFFFEC00  }
0x63: {  	_ =	swait.ge [sflag:s25], $0x1400  }
0x64: {  	[sflag:s25] =	ssyncset.done $0x0  }
0x65: {  	[sflag:s25] =	ssyncadd.s32 $0xFFFFEC00  }
0x66: {  	[spmem:s2] =	stream.indirect.scatter.add.f32 [tilespmem:s18], [sflag:$0x3], $0x80, s19, s26, $0xb8;
	[tilespmem:$0x1F000] =	vst v63  }
0x67: {  	_ =	swait.ge [sflag:s28], $0x2800  }
0x68: {  	[sflag:s28] =	ssyncset.done $0x0  }
0x69: {  	s23 =	sadd.s32 $0x179C0, s21;
	[sflag:s28] =	ssyncadd.s32 $0xFFFFD800  }
0x6a: {  	[tilespmem:s18], [sflag:$0x1] =	stream.indirect.gather [hbm4b:s4+s17], $0x80, s23, s17, $0xb8;
	[tilespmem:$0x1F000] =	vst v63  }
0x6b: {  	s21 =	sadd.s32 $0x179E8, s21  }
0x6c: {  	[tilespmem:s20], [sflag:$0x1] =	stream.indirect.gather [hbm4b:s4+s17], $0x80, s21, s17, $0xb8;
	[tilespmem:$0x1F000] =	vst v63  }
0x6d: {  	_ =	swait.ge [sflag:s31], $0x1400  }
.Ltmp0:
0x6e: {  	[sflag:s31] =	ssyncset.done $0x0;
	(pc) =	sbr.rel @p1 .LBB2_2-.Ltmp0, $4  }
0x6f: {  	[sflag:s31] =	ssyncadd.s32 $0xFFFFEC00  }
0x70: {  	_ =	swait.ge [sflag:s31], $0x1400  }
0x71: {  	[sflag:s31] =	ssyncset.done $0x0  }
0x72: {  	s21 =	sadd.s32 $0x80, s19;
	s19 =	sadd.s32 $0x100, s19;
	[sflag:s31] =	ssyncadd.s32 $0xFFFFEC00  }
0x73: {  	[spmem:s2] =	stream.indirect.scatter.add.f32 [tilespmem:s22], [sflag:$0x4], $0x80, s21, s26, $0xb8;
	[tilespmem:$0x1F000] =	vst v63  }
0x74: {  	_ =	swait.ge [sflag:s25], $0x1400  }
0x75: {  	[sflag:s25] =	ssyncset.done $0x0  }
0x76: {  	[sflag:s25] =	ssyncadd.s32 $0xFFFFEC00  }
0x77: {  	_ =	swait.ge [sflag:s25], $0x1400  }
0x78: {  	[sflag:s25] =	ssyncset.done $0x0  }
0x79: {  	[sflag:s25] =	ssyncadd.s32 $0xFFFFEC00  }
0x7a: {  	[spmem:s2] =	stream.indirect.scatter.add.f32 [tilespmem:s18], [sflag:$0x3], $0x80, s3, s26, $0xb8;
	[tilespmem:$0x1F000] =	vst v63  }
0x7b: {  	_ =	swait.ge [sflag:s0], $0x2800  }
0x7c: {  	[sflag:s0] =	ssyncset.done $0x0  }
0x7d: {  	[sflag:s0] =	ssyncadd.s32 $0xFFFFD800  }
0x7e: {  	_ =	swait.ge [sflag:s28], $0x2800  }
0x7f: {  	s14 =	sadd.s32 $0x1, s14;
	[sflag:s28] =	ssyncset.done $0x0  }
0x80: {  	p1 =	sne.s32 s14, s7;
	[sflag:s28] =	ssyncadd.s32 $0xFFFFD800  }
.Ltmp1:
0x81: {  	s15 =	simm.s32 @!p0 $0x1;
	[bflag:$0x0] =	sbarrier.arrive $0xFFFF;
	(pc) =	sbr.rel @p1 .LBB2_1-.Ltmp1, $4  }
0x82: {  	[hbm:s9], [sflag:s10] =	dma.local @!p0 [spmem:s11], $0x3E80  }
0x83: {  	_ =	swait.ge @!p0 [sflag:s15], $0x3E80  }
0x84: {  	[sflag:s15] =	ssyncset.done @!p0 $0x0  }
0x85: {  	[sflag:s15] =	ssyncadd.s32 @!p0 $0xFFFFC180  }
0x86: {  	_ =	sfence.sel $0x180000  }
0x87: {  	[bflag:$0x0] =	sbarrier.arrive $0xFFFF  }
0x88: {  	_ =	strace $0x9000004D  }
0x89: {  	s0 =	stileid.u32;
	[bflag:$0x2] =	sbarrier.arrive $0xFFFF  }
0x8a: {  	p0 =	sne.s32 s0, $0x0;
	s0 =	rddreg [dreg:$0x3]  }
0x8b: {  	s0 =	sadd.s32 @!p0 $0x100000, s0  }
0x8c: {  	[sflag:s0] =	ssyncadd.tile.s32 @!p0 $0x1;
	_ =	shalt  }
.Lfunc_end2:
_tile_overlayer_lowered:
.L_overlay_start_2:
0x8d: {  	(tag) =	ssettag $0x2  }
0x8e: {  	s0 =	rddreg [dreg:$0x0];
	s2 =	stileid.u32  }
0x8f: {  	s1 =	rddreg [dreg:$0x1];
	p0 =	sne.s32 s2, $0x0  }
0x90: {  	s3 =	rddreg [dreg:$0x2];
	[bflag:$0x3] =	sbarrier.arrive $0xFFFF;
	s2 =	simm.s32 @!p0 $0x1C05  }
0x91: {  	[timem:s3], [sflag:s2] =	dma.local @!p0 [hbm:s0], s1  }
0x92: {  	s0 =	simm.s32 @!p0 $0x5  }
0x93: {  	_ =	swait.ge @!p0 [sflag:s0], s1  }
0x94: {  	s1 =	ssub.s32 @!p0 $0x0, s1;
	[sflag:s0] =	ssyncset.done @!p0 $0x0  }
0x95: {  	[sflag:s0] =	ssyncadd.s32 @!p0 s1  }
0x96: {  	[bflag:$0x3] =	sbarrier.arrive $0xFFFF  }
0x97: {  	_ =	shalt  }

// kernel: kernel.8.cloned.1.call-start
scs
__scs_entry_jumppad:
0x0: {  	(pc) =	sbr.rel $0x88, $3  }
0x1: {  	(tag) =	ssettag $0x0;
	lr =	simm.s32 $0x1  }
0x2: {  	[smem:$0x3F8D] =	sst lr;
	_ =	strace $0xD0000000  }
0x3: {  	_ = 	snop  }
0x4: {  	_ = 	snop  }
0x5: {  	_ = 	snop  }
0x6: {  	_ = 	snop  }
0x7: {  	_ = 	snop  }
__scs_overlays_trampoline_lowered:
0x8: {  	[smem:$0x3F9C] =	sst s0  }
0x9: {  	[smem:$0x3F9D] =	sst s1  }
0xa: {  	[smem:$0x3F9E] =	sst s2  }
0xb: {  	[smem:$0x3F9F] =	sst s3  }
0xc: {  	[smem:$0x3FA0] =	sst s4  }
0xd: {  	[smem:$0x3FA1] =	sst s5  }
0xe: {  	[smem:$0x3FA2] =	sst s6  }
0xf: {  	[smem:$0x3FA3] =	sst s7  }
0x10: {  	[smem:$0x3FA4] =	sst s8  }
0x11: {  	[smem:$0x3FA5] =	sst s9;
	s0 =	simm.s32 @!p0 $0x0  }
0x12: {  	s1 =	sld [smem:$0x3F8B];
	s0 =	simm.s32 @p0 $0x1  }
0x13: {  	[smem:$0x3FA6] =	sst s0;
	s0 =	simm.s32 @!p1 $0x0  }
0x14: {  	s2 =	sld [smem:$0x3F8A];
	s0 =	simm.s32 @p1 $0x1  }
0x15: {  	[smem:$0x3FA7] =	sst s0;
	s0 =	simm.s32 @!p2 $0x0  }
0x16: {  	s3 =	sld [smem:$0x3FDB];
	s0 =	simm.s32 @p2 $0x1  }
0x17: {  	s4 =	simm.s32 $0x1BF5;
	[smem:$0x3FA9] =	sst s0  }
0x18: {  	s0 =	sld [smem:$0x3F8C];
	_ =	swait.ge [sflag:s4], $0x0  }
0x19: {  	s7 =	sld [smem:$0x3F8D]  }
0x1a: {  	s8 =	sadd.s32 $0xFFFFE003, lr  }
0x1b: {  	s9 =	sadd.s32 $0xFFFFFEF7, lr;
	s5 =	simm.s32 $0xFFFFFFFF;
	p2 =	slt.u32 s8, $0xFFFFF086  }
0x1c: {  	p1 =	slt.u32 s9, $0xF7A;
	s5 =	simm.s32 @!p2 $0x0  }
0x1d: {  	s5 =	simm.s32 @p1 $0x1;
	p0 =	seq.s32 s7, s2  }
0x1e: {  	s7 =	smul.u32 @!p0 $0xF7A, s2;
	p2 =	seq.s32 @!p0 s5, $0x0  }
0x1f: {  	s9 =	smul.u32 $0xF7A, s1;
	s8 =	simm.s32 @!p0 $0x1BF5;
	p2 =	por !p2, p0  }
0x20: {  	[sflag:s8] =	ssyncset.s32 @!p0 $0xFFFFF086;
	s6 =	sadd.s32 @!p0 s3, s7;
	s7 =	simm.s32 @!p0 $0x108  }
0x21: {  	s3 =	sadd.s32 s3, s9;
	s6 =	sadd.s32 @!p0 $0x88, s6;
	s7 =	simm.s32 @p2 $0x1082  }
0x22: {  	[simem:s7], [sflag:s8] =	dma.local @!p0 [hbm:s6], $0xF7A  }
0x23: {  	s9 =	sor.u32 $0xD0000000, s2;
	s6 =	simm.s32 $0x108;
	_ =	swait.ge @!p0 [sflag:s8], $0x0  }
0x24: {  	s3 =	sadd.s32 $0x88, s3;
	s6 =	simm.s32 @!p1 $0x1082;
	[sflag:s4] =	ssyncset.s32 $0xFFFFF086  }
0x25: {  	[simem:s6], [sflag:s4] =	dma.local [hbm:s3], $0xF7A  }
0x26: {  	[smem:$0x3F8D] =	sst s1;
	(tag) =	ssettag s2;
	_ =	strace s9  }
0x27: {  	s1 =	sld [smem:$0x3F9D]  }
0x28: {  	s2 =	sld [smem:$0x3F9E]  }
0x29: {  	s4 =	sld [smem:$0x3FA0]  }
0x2a: {  	p0 =	seq.s32 s5, $0x0;
	s5 =	sld [smem:$0x3FA1]  }
0x2b: {  	s6 =	sld [smem:$0x3FA2]  }
0x2c: {  	s7 =	sld [smem:$0x3FA3]  }
0x2d: {  	s3 =	simm.s32 $0x108;
	s8 =	sld [smem:$0x3FA4]  }
0x2e: {  	s3 =	simm.s32 @!p0 $0x1082;
	s9 =	sld [smem:$0x3FA5]  }
0x2f: {  	lr =	sadd.s32 s0, s3;
	s0 =	sld [smem:$0x3F9C]  }
0x30: {  	s3 =	sld [smem:$0x3F9F]  }
0x31: {  	[smem:$0x3FA8] =	sst s10  }
0x32: {  	s10 =	sld [smem:$0x3FA6];
	_ =	sdelay $0x3  }
0x33: {  	p0 =	seq.s32 s10, $0x1;
	s10 =	sld [smem:$0x3FA8];
	_ =	sdelay $0x3  }
0x34: {  	[smem:$0x3FA8] =	sst s10  }
0x35: {  	s10 =	sld [smem:$0x3FA7];
	_ =	sdelay $0x3  }
0x36: {  	p1 =	seq.s32 s10, $0x1;
	s10 =	sld [smem:$0x3FA8];
	_ =	sdelay $0x3  }
0x37: {  	[smem:$0x3FA8] =	sst s10  }
0x38: {  	s10 =	sld [smem:$0x3FA9]  }
0x39: {  	_ = 	snop;
	(pc) =	sbr.ind lr, $3  }
0x3a: {  	_ = 	snop  }
0x3b: {  	_ = 	snop  }
0x3c: {  	p2 =	seq.s32 s10, $0x1;
	s10 =	sld [smem:$0x3FA8]  }
0x3d: {  	_ =	shalt  }
0x3e: {  	_ =	shalt  }
0x3f: {  	_ =	shalt  }
0x40: {  	_ =	shalt  }
0x41: {  	_ =	shalt  }
0x42: {  	_ =	shalt  }
0x43: {  	_ =	shalt  }
0x44: {  	_ =	shalt  }
0x45: {  	_ =	shalt  }
0x46: {  	_ =	shalt  }
0x47: {  	_ =	shalt  }
0x48: {  	_ =	shalt  }
0x49: {  	_ =	shalt  }
0x4a: {  	_ =	shalt  }
0x4b: {  	_ =	shalt  }
0x4c: {  	_ =	shalt  }
0x4d: {  	_ =	shalt  }
0x4e: {  	_ =	shalt  }
0x4f: {  	_ =	shalt  }
0x50: {  	_ =	shalt  }
0x51: {  	_ =	shalt  }
0x52: {  	_ =	shalt  }
0x53: {  	_ =	shalt  }
0x54: {  	_ =	shalt  }
0x55: {  	_ =	shalt  }
0x56: {  	_ =	shalt  }
0x57: {  	_ =	shalt  }
0x58: {  	_ =	shalt  }
0x59: {  	_ =	shalt  }
0x5a: {  	_ =	shalt  }
0x5b: {  	_ =	shalt  }
0x5c: {  	_ =	shalt  }
0x5d: {  	_ =	shalt  }
0x5e: {  	_ =	shalt  }
0x5f: {  	_ =	shalt  }
0x60: {  	_ =	shalt  }
0x61: {  	_ =	shalt  }
0x62: {  	_ =	shalt  }
0x63: {  	_ =	shalt  }
0x64: {  	_ =	shalt  }
0x65: {  	_ =	shalt  }
0x66: {  	_ =	shalt  }
0x67: {  	_ =	shalt  }
0x68: {  	_ =	shalt  }
0x69: {  	_ =	shalt  }
0x6a: {  	_ =	shalt  }
0x6b: {  	_ =	shalt  }
0x6c: {  	_ =	shalt  }
0x6d: {  	_ =	shalt  }
0x6e: {  	_ =	shalt  }
0x6f: {  	_ =	shalt  }
0x70: {  	_ =	shalt  }
0x71: {  	_ =	shalt  }
0x72: {  	_ =	shalt  }
0x73: {  	_ =	shalt  }
0x74: {  	_ =	shalt  }
0x75: {  	_ =	shalt  }
0x76: {  	_ =	shalt  }
0x77: {  	_ =	shalt  }
0x78: {  	_ =	shalt  }
0x79: {  	_ =	shalt  }
0x7a: {  	_ =	shalt  }
0x7b: {  	_ =	shalt  }
0x7c: {  	_ =	shalt  }
0x7d: {  	_ =	shalt  }
0x7e: {  	_ =	shalt  }
0x7f: {  	_ =	shalt  }
0x80: {  	_ =	shalt  }
0x81: {  	_ =	shalt  }
0x82: {  	_ =	shalt  }
0x83: {  	_ =	shalt  }
0x84: {  	_ =	shalt  }
0x85: {  	_ =	shalt  }
0x86: {  	_ =	shalt  }
0x87: {  	_ =	shalt  }
.Lfunc_end0:
.L_simem_size_0:
called_computation_lowered:
.L_overlay_start_0:
0x88: {  	s2 =	sld [smem:$0x3FD9]  }
0x89: {  	s3 =	sld [smem:$0x3FFE];
	_ =	sdelay $0x1  }
0x8a: {  	s1 =	srdreg.scid  }
0x8b: {  	s0 =	sand.u32 $0x1, s1  }
0x8c: {  	s17 =	sshll.u32 s0, $0xA;
	s2 =	sadd.s32 s3, s2  }
0x8d: {  	s2 =	sadd.s32 s2, s17  }
0x8e: {  	[smem:$0x3FB4] =	sst s2  }
0x8f: {  	_ = 	snop  }
0x90: {  	s2 =	sld [smem:$0x3FC9]  }
0x91: {  	s18 =	sld [smem:$0x3FD0];
	(tm) =	ssettm $0x1  }
0x92: {  	s4 =	sld [smem:$0x3FFB];
	_ =	sdelay $0x3  }
0x93: {  	_ =	strace s4  }
0x94: {  	s4 =	sld [smem:$0x3FFC];
	_ =	sdelay $0x3  }
0x95: {  	_ =	strace s4  }
0x96: {  	s4 =	sld [smem:$0x3FFD];
	_ =	sdelay $0x3  }
0x97: {  	_ =	strace s4  }
0x98: {  	_ =	strace $0x8FFFFFFF  }
0x99: {  	s19 =	sld [smem:$0x3FDB];
	_ =	sdelay $0x1  }
0x9a: {  	s5 =	simm.s32 $_scs_section_size  }
0x9b: {  	s6 =	simm.s32 $_size__tile_overlayer_lowered;
	s7 =	simm.s32 $_tile_overlayer_lowered  }
0x9c: {  	s22 =	simm.s32 $0x1BFF;
	s21 =	sshll.u32 s7, $0x1;
	s4 =	sadd.s32 s5, s19  }
0x9d: {  	s8 =	simm.s32 $0x0;
	s20 =	sshll.u32 s6, $0x1;
	s6 =	sadd.s32 s21, s4  }
0x9e: {  	[timem:s8], [sflag:s22] =	dma.local [hbm:s6], s20  }
0x9f: {  	_ =	swait.ge [sflag:s22], s20  }
0xa0: {  	s5 =	ssub.s32 $0x0, s20;
	[sflag:s22] =	ssyncset.done $0x0  }
0xa1: {  	[sflag:s22] =	ssyncadd.s32 s5;
	_ =	sdelay $0x1  }
0xa2: {  	s23 =	simm.s32 $0x1B8B  }
0xa3: {  	_ =	swait.ge [sflag:s23], $0x1  }
0xa4: {  	[sflag:s23] =	ssyncset.done $0x0  }
0xa5: {  	s25 =	simm.s32 $0x1B8E;
	s24 =	sld [smem:$0x3FFE];
	[sflag:s23] =	ssyncadd.s32 $0xFFFFFFFF  }
0xa6: {  	s26 =	simm.s32 $execute0_lowered;
	[smem:$0x3FD2] =	sst s25  }
0xa7: {  	s6 =	sshll.u32 s26, $0x1;
	_ =	strace $0x80000046;
	[dreg:$0x1] =	wrdreg $0xFFFFFFFF  }
0xa8: {  	s28 =	simm.s32 $_size_execute0_lowered;
	s4 =	sadd.s32 s4, s6;
	[dreg:$0x0] =	wrdreg $0x0  }
0xa9: {  	s6 =	sshll.u32 s28, $0x1;
	[dreg:$0x2] =	wrdreg s4  }
0xaa: {  	[dreg:$0x3] =	wrdreg s6  }
0xab: {  	[dreg:$0x4] =	wrdreg $0xC0  }
0xac: {  	_ =	task [dreg:s8], $0x5FFFF  }
0xad: {  	[dreg:$0x1] =	wrdreg $0xFFFFFFFF  }
0xae: {  	[dreg:$0x0] =	wrdreg $0x60  }
0xaf: {  	[dreg:$0x2] =	wrdreg s2  }
0xb0: {  	[dreg:$0x3] =	wrdreg s24  }
0xb1: {  	[dreg:$0x4] =	wrdreg s18  }
0xb2: {  	[dreg:$0x5] =	wrdreg $0x0  }
0xb3: {  	[dreg:$0x6] =	wrdreg $0x9  }
0xb4: {  	_ =	task.clear_ibuf [dreg:s8], $0x7FFFF;
	_ =	strace $0x90000046  }
0xb5: {  	s29 =	simm.s32 $0x9;
	_ =	strace $0x80000048  }
0xb6: {  	_ =	swait.ge [sflag:s29], $0x1  }
0xb7: {  	[sflag:s29] =	ssyncadd.s32 $0xFFFFFFFF  }
0xb8: {  	_ =	strace $0x90000048  }
0xb9: {  	_ =	sfence  }
0xba: {  	s30 =	sld [smem:$0x0];
	_ =	sdelay $0x2  }
0xbb: {  	s31 =	sshll.u32 s1, $0xD;
	s1 =	sshrl.u32 s1, $0x2  }
0xbc: {  	s3 =	sand.u32 $0x4000, s31;
	s1 =	sadd.s32 s1, s30  }
0xbd: {  	s0 =	sor.u32 s3, s0;
	s1 =	sshll.u32 s1, $0x11  }
0xbe: {  	s0 =	sor.u32 s1, s0  }
0xbf: {  	s0 =	sadd.s32 $0x8F2B, s0  }
0xc0: {  	[sflag:s0] =	ssyncadd.remote.s32 $0x1  }
0xc1: {  	_ =	sfence.sel $0xFFFF  }
0xc2: {  	[dreg:$0x0] =	wrdreg $0xFFFFFFFF;
	(pc) =	sbr.abs _section_cstart, $3  }
0xc3: {  	[dreg:$0x1] =	wrdreg $0xFFFFFFFF  }
0xc4: {  	_ =	task.clear_ibuf [dreg:s8], $0x2FFFF;
	_ =	strace $0x9FFFFFFF  }
0xc5: {  	(tm) =	ssettm $0x7FFFFFFF  }
tec
execute0_lowered:
.L_overlay_start_1:
0x0: {  	(tag) =	ssettag $0x1  }
0x1: {  	s1 =	rddreg [dreg:$0x0]  }
0x2: {  	s0 =	srdreg.scid;
	s4 =	rddreg [dreg:$0x1]  }
0x3: {  	s12 =	stileid.u32;
	s8 =	rddreg [dreg:$0x2];
	s7 =	simm.s32 $0x0  }
0x4: {  	s13 =	simm.s32 $0x5;
	s16 =	simm.s32 $0x17880;
	s17 =	simm.s32 $0x28  }
0x5: {  	s18 =	simm.s32 $0x1A000;
	s20 =	simm.s32 $0x1B400;
	s22 =	simm.s32 $0x1C800  }
0x6: {  	s28 =	simm.s32 $0x3;
	s29 =	simm.s32 $0x17920;
	s30 =	simm.s32 $0x17948  }
0x7: {  	s31 =	simm.s32 $0x2;
	s14 =	simm.s32 $0x0;
	s0 =	sand.u32 $0x1, s0  }
0x8: {  	s2 =	sshll.u32 s12, $0x1;
	s3 =	sshrl.u32 s12, $0x2;
	s25 =	smul.u32 $0x7D000, s12  }
0x9: {  	[smem:$0x7FF] =	sst s7;
	s9 =	sadd.s32 $0x1E200, s4;
	s11 =	smul.u32 $0x3E80, s12  }
0xa: {  	s2 =	sor.u32 s0, s2;
	s5 =	smul.u32 $0x13C00, s3;
	s3 =	rddreg [dreg:$0x3]  }
0xb: {  	_ =	strace $0x80000047;
	s24 =	ssub.s32 $0x2, s0;
	p0 =	seq.s32 s0, $0x0  }
0xc: {  	s6 =	sshll.u32 s2, $0x7;
	s2 =	sshll.u32 s2, $0xB;
	s10 =	sshrl.u32 s24, $0x1  }
0xd: {  	s26 =	sshrl.u32 s25, $0x2;
	s8 =	smov.u32 @p0 s1;
	s25 =	simm.s32 $0x1  }
0xe: {  	s6 =	sand.u32 $0x380, s6;
	s2 =	sadd.s32 s2, s4;
	s10 =	ssub.s32 s24, s10  }
0xf: {  	s0 =	sadd.s32 s26, s3;
	s8 =	sadd.s32 s8, s11;
	s5 =	sor.u32 s5, s6  }
0x10: {  	s24 =	simm.s32 $0x1DC00;
	s26 =	simm.s32 $0x50;
	s5 =	sshrl.u32 s5, $0x3  }
0x11: {  	s7 =	smax.u32 s10, $0x1;
	s23 =	sadd.s32 s5, s4;
	s4 =	sadd.s32 $0x45400, s4  }
0x12: {  	s5 =	sadd.s32 $0x4400, s2;
	s4 =	smov.u32 @p0 s9;
	p0 =	sgt.u32 s12, $0x9  }
0x13: {  	s6 =	sadd.s32 $0x14400, s23;
	s2 =	sshll.u32 @!p0 s12, $0x6;
	s9 =	sadd.s32 s4, s11  }
0x14: {  	s11 =	sshrl.u32 @!p0 s0, $0x3;
	s12 =	simm.s32 $0x13880;
	s0 =	simm.s32 $0x4  }
0x15: {  	s4 =	simm.s32 $0x17680;
	s10 =	sor.u32 @!p0 $0x1C01, s2;
	s2 =	simm.s32 $0x13900  }
.LBB2_1:
0x16: {  	[spmem:s11], [sflag:s10] =	dma.local @!p0 [hbm:s8], $0x3E80  }
0x17: {  	s15 =	simm.s32 $0x0  }
0x18: {  	[tilespmem:s12], [sflag:$0x5] =	stream.linear.gather [hbm4b:s5+s15], $0x3E80, $0x38;
	[tilespmem:$0x1F000] =	vst v63  }
0x19: {  	_ =	swait.ge [sflag:s13], $0x3E80  }
0x1a: {  	[sflag:s13] =	ssyncset.done $0x0  }
0x1b: {  	s23 =	simm.s32 $0x80;
	s19 =	simm.s32 $0x400;
	[sflag:s13] =	ssyncadd.s32 $0xFFFFC180  }
0x1c: {  	[tilespmem:s16], [sflag:$0x5] =	stream.strided.gather [hbm4b:s6+s23], $0x2780, s19, s23, $0x38;
	[tilespmem:$0x1F000] =	vst v63  }
0x1d: {  	_ =	swait.ge [sflag:s13], $0x2780  }
0x1e: {  	[sflag:s13] =	ssyncset.done $0x0  }
0x1f: {  	s15 =	simm.s32 @!p0 $0x1;
	[sflag:s13] =	ssyncadd.s32 $0xFFFFD880  }
0x20: {  	_ =	swait.ge @!p0 [sflag:s15], $0x3E80  }
0x21: {  	[sflag:s15] =	ssyncset.done @!p0 $0x0  }
0x22: {  	[sflag:s15] =	ssyncadd.s32 @!p0 $0xFFFFC180  }
0x23: {  	[bflag:$0x0] =	sbarrier.arrive $0xFFFF  }
0x24: {  	[tilespmem:s18], [sflag:$0x1] =	stream.indirect.gather [hbm4b:s1+s17], $0x80, s16, s17, $0xb8;
	[tilespmem:$0x1F000] =	vst v63  }
0x25: {  	s21 =	simm.s32 $0x178A8  }
0x26: {  	[tilespmem:s20], [sflag:$0x1] =	stream.indirect.gather [hbm4b:s1+s17], $0x80, s21, s17, $0xb8;
	[tilespmem:$0x1F000] =	vst v63  }
0x27: {  	s23 =	simm.s32 $0x178D0  }
0x28: {  	[tilespmem:s22], [sflag:$0x2] =	stream.indirect.gather [hbm4b:s1+s17], $0x80, s23, s17, $0xb8;
	[tilespmem:$0x1F000] =	vst v63  }
0x29: {  	s19 =	simm.s32 $0x178F8  }
0x2a: {  	[tilespmem:s24], [sflag:$0x2] =	stream.indirect.gather [hbm4b:s1+s17], $0x80, s19, s17, $0xb8;
	[tilespmem:$0x1F000] =	vst v63  }
0x2b: {  	_ =	swait.ge [sflag:s25], $0x1400  }
0x2c: {  	[sflag:s25] =	ssyncset.done $0x0  }
0x2d: {  	[sflag:s25] =	ssyncadd.s32 $0xFFFFEC00  }
0x2e: {  	_ =	swait.ge [sflag:s25], $0x1400  }
0x2f: {  	[sflag:s25] =	ssyncset.done $0x0  }
0x30: {  	[sflag:s25] =	ssyncadd.s32 $0xFFFFEC00  }
0x31: {  	[spmem:s3] =	stream.indirect.scatter.add.f32 [tilespmem:s18], [sflag:$0x3], $0x80, s12, s26, $0xb8;
	[tilespmem:$0x1F000] =	vst v63  }
0x32: {  	_ =	swait.ge [sflag:s28], $0x2800  }
0x33: {  	[sflag:s28] =	ssyncset.done $0x0  }
0x34: {  	[sflag:s28] =	ssyncadd.s32 $0xFFFFD800  }
0x35: {  	[tilespmem:s18], [sflag:$0x1] =	stream.indirect.gather [hbm4b:s1+s17], $0x80, s29, s17, $0xb8;
	[tilespmem:$0x1F000] =	vst v63  }
0x36: {  	_ = 	snop  }
0x37: {  	[tilespmem:s20], [sflag:$0x1] =	stream.indirect.gather [hbm4b:s1+s17], $0x80, s30, s17, $0xb8;
	[tilespmem:$0x1F000] =	vst v63  }
0x38: {  	_ =	swait.ge [sflag:s31], $0x1400  }
0x39: {  	[sflag:s31] =	ssyncset.done $0x0  }
0x3a: {  	[sflag:s31] =	ssyncadd.s32 $0xFFFFEC00  }
0x3b: {  	_ =	swait.ge [sflag:s31], $0x1400  }
0x3c: {  	[sflag:s31] =	ssyncset.done $0x0  }
0x3d: {  	[sflag:s31] =	ssyncadd.s32 $0xFFFFEC00  }
0x3e: {  	[spmem:s3] =	stream.indirect.scatter.add.f32 [tilespmem:s22], [sflag:$0x4], $0x80, s2, s26, $0xb8;
	[tilespmem:$0x1F000] =	vst v63  }
0x3f: {  	_ =	swait.ge [sflag:s0], $0x2800  }
0x40: {  	[sflag:s0] =	ssyncset.done $0x0  }
0x41: {  	s21 =	simm.s32 $0x17970;
	[sflag:s0] =	ssyncadd.s32 $0xFFFFD800  }
0x42: {  	[tilespmem:s22], [sflag:$0x2] =	stream.indirect.gather [hbm4b:s1+s17], $0x80, s21, s17, $0xb8;
	[tilespmem:$0x1F000] =	vst v63  }
0x43: {  	s23 =	simm.s32 $0x17998  }
0x44: {  	[tilespmem:s24], [sflag:$0x2] =	stream.indirect.gather [hbm4b:s1+s17], $0x80, s23, s17, $0xb8;
	[tilespmem:$0x1F000] =	vst v63  }
0x45: {  	_ =	swait.ge [sflag:s25], $0x1400  }
0x46: {  	[sflag:s25] =	ssyncset.done $0x0  }
0x47: {  	[sflag:s25] =	ssyncadd.s32 $0xFFFFEC00  }
0x48: {  	_ =	swait.ge [sflag:s25], $0x1400  }
0x49: {  	[sflag:s25] =	ssyncset.done $0x0  }
0x4a: {  	s19 =	simm.s32 $0x13980;
	[sflag:s25] =	ssyncadd.s32 $0xFFFFEC00  }
0x4b: {  	[spmem:s3] =	stream.indirect.scatter.add.f32 [tilespmem:s18], [sflag:$0x3], $0x80, s19, s26, $0xb8;
	[tilespmem:$0x1F000] =	vst v63  }
0x4c: {  	_ =	swait.ge [sflag:s28], $0x2800  }
0x4d: {  	[sflag:s28] =	ssyncset.done $0x0  }
0x4e: {  	s21 =	simm.s32 $0x179C0;
	[sflag:s28] =	ssyncadd.s32 $0xFFFFD800  }
0x4f: {  	[tilespmem:s18], [sflag:$0x1] =	stream.indirect.gather [hbm4b:s1+s17], $0x80, s21, s17, $0xb8;
	[tilespmem:$0x1F000] =	vst v63  }
0x50: {  	s23 =	simm.s32 $0x179E8  }
0x51: {  	[tilespmem:s20], [sflag:$0x1] =	stream.indirect.gather [hbm4b:s1+s17], $0x80, s23, s17, $0xb8;
	[tilespmem:$0x1F000] =	vst v63  }
0x52: {  	_ =	swait.ge [sflag:s31], $0x1400  }
0x53: {  	[sflag:s31] =	ssyncset.done $0x0  }
0x54: {  	[sflag:s31] =	ssyncadd.s32 $0xFFFFEC00  }
0x55: {  	_ =	swait.ge [sflag:s31], $0x1400  }
0x56: {  	s15 =	simm.s32 $0x280;
	[sflag:s31] =	ssyncset.done $0x0  }
0x57: {  	s19 =	simm.s32 $0x13A80;
	s21 =	simm.s32 $0x13A00;
	[sflag:s31] =	ssyncadd.s32 $0xFFFFEC00  }
.LBB2_2:
0x58: {  	[spmem:s3] =	stream.indirect.scatter.add.f32 [tilespmem:s22], [sflag:$0x4], $0x80, s21, s26, $0xb8;
	[tilespmem:$0x1F000] =	vst v63  }
0x59: {  	s21 =	smov.u32 s15  }
0x5a: {  	p1 =	sne.s32 s15, $0x9600;
	s15 =	sadd.s32 $0x280, s15;
	_ =	swait.ge [sflag:s0], $0x2800  }
0x5b: {  	s21 =	sshra.s32 s21, $0x2;
	[sflag:s0] =	ssyncset.done $0x0  }
0x5c: {  	s23 =	sadd.s32 $0x17970, s21;
	[sflag:s0] =	ssyncadd.s32 $0xFFFFD800  }
0x5d: {  	[tilespmem:s22], [sflag:$0x2] =	stream.indirect.gather [hbm4b:s1+s17], $0x80, s23, s17, $0xb8;
	[tilespmem:$0x1F000] =	vst v63  }
0x5e: {  	s23 =	sadd.s32 $0x17998, s21  }
0x5f: {  	[tilespmem:s24], [sflag:$0x2] =	stream.indirect.gather [hbm4b:s1+s17], $0x80, s23, s17, $0xb8;
	[tilespmem:$0x1F000] =	vst v63  }
0x60: {  	_ =	swait.ge [sflag:s25], $0x1400  }
0x61: {  	[sflag:s25] =	ssyncset.done $0x0  }
0x62: {  	[sflag:s25] =	ssyncadd.s32 $0xFFFFEC00  }
0x63: {  	_ =	swait.ge [sflag:s25], $0x1400  }
0x64: {  	[sflag:s25] =	ssyncset.done $0x0  }
0x65: {  	[sflag:s25] =	ssyncadd.s32 $0xFFFFEC00  }
0x66: {  	[spmem:s3] =	stream.indirect.scatter.add.f32 [tilespmem:s18], [sflag:$0x3], $0x80, s19, s26, $0xb8;
	[tilespmem:$0x1F000] =	vst v63  }
0x67: {  	_ =	swait.ge [sflag:s28], $0x2800  }
0x68: {  	[sflag:s28] =	ssyncset.done $0x0  }
0x69: {  	s23 =	sadd.s32 $0x179C0, s21;
	[sflag:s28] =	ssyncadd.s32 $0xFFFFD800  }
0x6a: {  	[tilespmem:s18], [sflag:$0x1] =	stream.indirect.gather [hbm4b:s1+s17], $0x80, s23, s17, $0xb8;
	[tilespmem:$0x1F000] =	vst v63  }
0x6b: {  	s21 =	sadd.s32 $0x179E8, s21  }
0x6c: {  	[tilespmem:s20], [sflag:$0x1] =	stream.indirect.gather [hbm4b:s1+s17], $0x80, s21, s17, $0xb8;
	[tilespmem:$0x1F000] =	vst v63  }
0x6d: {  	_ =	swait.ge [sflag:s31], $0x1400  }
.Ltmp0:
0x6e: {  	[sflag:s31] =	ssyncset.done $0x0;
	(pc) =	sbr.rel @p1 .LBB2_2-.Ltmp0, $4  }
0x6f: {  	[sflag:s31] =	ssyncadd.s32 $0xFFFFEC00  }
0x70: {  	_ =	swait.ge [sflag:s31], $0x1400  }
0x71: {  	[sflag:s31] =	ssyncset.done $0x0  }
0x72: {  	s21 =	sadd.s32 $0x80, s19;
	s19 =	sadd.s32 $0x100, s19;
	[sflag:s31] =	ssyncadd.s32 $0xFFFFEC00  }
0x73: {  	[spmem:s3] =	stream.indirect.scatter.add.f32 [tilespmem:s22], [sflag:$0x4], $0x80, s21, s26, $0xb8;
	[tilespmem:$0x1F000] =	vst v63  }
0x74: {  	_ =	swait.ge [sflag:s25], $0x1400  }
0x75: {  	[sflag:s25] =	ssyncset.done $0x0  }
0x76: {  	[sflag:s25] =	ssyncadd.s32 $0xFFFFEC00  }
0x77: {  	_ =	swait.ge [sflag:s25], $0x1400  }
0x78: {  	[sflag:s25] =	ssyncset.done $0x0  }
0x79: {  	[sflag:s25] =	ssyncadd.s32 $0xFFFFEC00  }
0x7a: {  	[spmem:s3] =	stream.indirect.scatter.add.f32 [tilespmem:s18], [sflag:$0x3], $0x80, s4, s26, $0xb8;
	[tilespmem:$0x1F000] =	vst v63  }
0x7b: {  	_ =	swait.ge [sflag:s0], $0x2800  }
0x7c: {  	[sflag:s0] =	ssyncset.done $0x0  }
0x7d: {  	[sflag:s0] =	ssyncadd.s32 $0xFFFFD800  }
0x7e: {  	_ =	swait.ge [sflag:s28], $0x2800  }
0x7f: {  	s14 =	sadd.s32 $0x1, s14;
	[sflag:s28] =	ssyncset.done $0x0  }
0x80: {  	p1 =	sne.s32 s14, s7;
	[sflag:s28] =	ssyncadd.s32 $0xFFFFD800  }
.Ltmp1:
0x81: {  	s15 =	simm.s32 @!p0 $0x1;
	[bflag:$0x0] =	sbarrier.arrive $0xFFFF;
	(pc) =	sbr.rel @p1 .LBB2_1-.Ltmp1, $4  }
0x82: {  	[hbm:s9], [sflag:s10] =	dma.local @!p0 [spmem:s11], $0x3E80  }
0x83: {  	_ =	swait.ge @!p0 [sflag:s15], $0x3E80  }
0x84: {  	[sflag:s15] =	ssyncset.done @!p0 $0x0  }
0x85: {  	[sflag:s15] =	ssyncadd.s32 @!p0 $0xFFFFC180  }
0x86: {  	_ =	sfence.sel $0x180000  }
0x87: {  	[bflag:$0x0] =	sbarrier.arrive $0xFFFF  }
0x88: {  	_ =	strace $0x90000047  }
0x89: {  	s0 =	stileid.u32;
	[bflag:$0x2] =	sbarrier.arrive $0xFFFF  }
0x8a: {  	p0 =	sne.s32 s0, $0x0;
	s0 =	rddreg [dreg:$0x4]  }
0x8b: {  	s0 =	sadd.s32 @!p0 $0x100000, s0  }
0x8c: {  	[sflag:s0] =	ssyncadd.tile.s32 @!p0 $0x1;
	_ =	shalt  }
.Lfunc_end2:
_tile_overlayer_lowered:
.L_overlay_start_2:
0x8d: {  	(tag) =	ssettag $0x2  }
0x8e: {  	s0 =	rddreg [dreg:$0x0];
	s2 =	stileid.u32  }
0x8f: {  	s1 =	rddreg [dreg:$0x1];
	p0 =	sne.s32 s2, $0x0  }
0x90: {  	s3 =	rddreg [dreg:$0x2];
	[bflag:$0x3] =	sbarrier.arrive $0xFFFF;
	s2 =	simm.s32 @!p0 $0x1C05  }
0x91: {  	[timem:s3], [sflag:s2] =	dma.local @!p0 [hbm:s0], s1  }
0x92: {  	s0 =	simm.s32 @!p0 $0x5  }
0x93: {  	_ =	swait.ge @!p0 [sflag:s0], s1  }
0x94: {  	s1 =	ssub.s32 @!p0 $0x0, s1;
	[sflag:s0] =	ssyncset.done @!p0 $0x0  }
0x95: {  	[sflag:s0] =	ssyncadd.s32 @!p0 s1  }
0x96: {  	[bflag:$0x3] =	sbarrier.arrive $0xFFFF  }
0x97: {  	_ =	shalt  }

</sc_bundles>
